<compile_context>
chip_gen: v7x
topology: tpu7x:2x2x1
jax: 0.10.2.dev20260603
libtpu: 0.0.44.dev20260713+nightly
codegen_flags: <defaults>
</compile_context>

<pallas_src>
import functools

import jax
import jax.numpy as jnp
from jax import lax
from jax.experimental import pallas as pl
from jax.experimental.pallas import tpu as pltpu
from jax.experimental.pallas import tpu_sc as plsc

_B, _N, _D = 4, 1024, 128
_K = 16
_GR = 64
_COUT = 384

_ROWS = 256


def _topk_body(pos_ref, posT_ref, out_ref):
    b = pl.program_id(0)
    nblk = pl.program_id(1)
    q = pos_ref[0]
    pT = posT_ref[0]
    cols = lax.broadcasted_iota(jnp.int32, (_ROWS, _N), 1)
    rows = nblk * _ROWS + lax.broadcasted_iota(jnp.int32, (_ROWS, 1), 0)
    acc = jnp.zeros((_ROWS, _N), jnp.float32)
    for c in range(3):
        diff = q[:, c:c + 1] - pT[c:c + 1, :]
        acc = acc + diff * diff
    acc = jnp.where(cols == rows, jnp.inf, acc)
    picks = []
    for _ in range(_K):
        m = jnp.min(acc, axis=1, keepdims=True)
        amin = jnp.min(jnp.where(acc == m, cols, _N), axis=1, keepdims=True)
        picks.append(amin)
        acc = jnp.where(cols == amin, jnp.inf, acc)
    idx = jnp.concatenate(picks, axis=1)
    out_ref[0] = idx + b * _N


def _topk_indices(pos):
    posT = jnp.transpose(pos, (0, 2, 1))
    return pl.pallas_call(
        _topk_body,
        grid=(_B, _N // _ROWS),
        in_specs=[
            pl.BlockSpec((1, _ROWS, 3), lambda b, n: (b, n, 0)),
            pl.BlockSpec((1, 3, _N), lambda b, n: (b, 0, 0)),
        ],
        out_specs=pl.BlockSpec((1, _ROWS, _K), lambda b, n: (b, n, 0)),
        out_shape=jax.ShapeDtypeStruct((_B, _N, _K), jnp.int32),
    )(pos, posT)


_NROWS = _B * _K * _N
_CH = 128


def _make_sc_gather():
    info = plsc.get_sparse_core_info()
    nw = info.num_cores * info.num_subcores
    rows_w = _NROWS // nw
    nch = rows_w // _CH
    mesh = plsc.VectorSubcoreMesh(core_axis_name="c", subcore_axis_name="s")

    @functools.partial(
        pl.kernel,
        mesh=mesh,
        out_type=jax.ShapeDtypeStruct((_NROWS, _D), jnp.float32),
        scratch_types=[
            pltpu.VMEM((nch, _CH), jnp.int32),
            pltpu.VMEM((_CH, _D), jnp.float32),
            pltpu.VMEM((_CH, _D), jnp.float32),
            pltpu.SemaphoreType.DMA,
            pltpu.SemaphoreType.DMA,
        ],
    )
    def gather(x_hbm, idx_hbm, out_hbm, idx_v, rows0, rows1, sem0, sem1):
        c = lax.axis_index("c")
        s = lax.axis_index("s")
        wid = s * info.num_cores + c
        base = wid * rows_w
        pltpu.sync_copy(idx_hbm.at[wid], idx_v)
        bufs = (rows0, rows1)
        sems = (sem0, sem1)
        cp0 = pltpu.async_copy(x_hbm.at[idx_v.at[0]], bufs[0], sems[0])
        cps = [cp0]
        for g in range(nch):
            if g + 1 < nch:
                cps.append(pltpu.async_copy(
                    x_hbm.at[idx_v.at[g + 1]], bufs[(g + 1) % 2],
                    sems[(g + 1) % 2]))
            cps[g].wait()
            pltpu.sync_copy(bufs[g % 2],
                            out_hbm.at[pl.ds(base + g * _CH, _CH)])

    return gather, nw, nch


def _sc_gather(x_flat, idx_flat):
    gather, nw, nch = _make_sc_gather()
    idx3d = idx_flat.reshape(nw, nch, _CH)
    return gather(x_flat, idx3d)


_BLK = 256


def _mlp_body(xg_ref, x_ref, wa_ref, wb_ref, b1_ref, w2_ref, b2_ref,
              m1w1_ref, m1b1_ref, m1w2_ref, m1b2_ref,
              m2w1_ref, m2b1_ref, m2w2_ref, m2b2_ref,
              llw_ref, llb_ref, a1_ref, a1b_ref, a2_ref, a2b_ref, out_ref):
    f32 = jnp.float32
    xb = x_ref[0]
    pre_a = jnp.dot(xb, wa_ref[...], preferred_element_type=f32) + b1_ref[...]

    def relu(v):
        return jnp.maximum(v, 0.0)

    def body(k, carry):
        mh, m1, m2, m3, nh, n1, n2, n3, den = carry
        xj = xg_ref[k]
        h1 = relu(jnp.dot(xj, wb_ref[...], preferred_element_type=f32) + pre_a)
        h = relu(jnp.dot(h1, w2_ref[...], preferred_element_type=f32) + b2_ref[...])
        y1 = jnp.concatenate([xb, h], axis=1)
        t1 = relu(jnp.dot(y1, m1w1_ref[...], preferred_element_type=f32) + m1b1_ref[...])
        z1 = relu(jnp.dot(t1, m1w2_ref[...], preferred_element_type=f32) + m1b2_ref[...])
        y2 = jnp.concatenate([y1, z1], axis=1)
        t2 = relu(jnp.dot(y2, m2w1_ref[...], preferred_element_type=f32) + m2b1_ref[...])
        z2 = relu(jnp.dot(t2, m2w2_ref[...], preferred_element_type=f32) + m2b2_ref[...])
        y3 = jnp.concatenate([y2, z2], axis=1)
        z3 = jnp.dot(y3, llw_ref[...], preferred_element_type=f32) + llb_ref[...]
        y4 = jnp.concatenate([y3, z3], axis=1)
        w = relu(jnp.dot(y4, a1_ref[...], preferred_element_type=f32) + a1b_ref[...])
        sc = jnp.sum(w * a2_ref[...], axis=1, keepdims=True) + a2b_ref[...]
        e = jnp.exp(jax.nn.sigmoid(sc))
        return (jnp.maximum(mh, h), jnp.maximum(m1, z1),
                jnp.maximum(m2, z2), jnp.maximum(m3, z3),
                nh + e * h, n1 + e * z1, n2 + e * z2, n3 + e * z3, den + e)

    neg = jnp.full((_BLK, _GR), -jnp.inf, f32)
    zer = jnp.zeros((_BLK, _GR), f32)
    init = (neg, neg, neg, neg, zer, zer, zer, zer, jnp.zeros((_BLK, 1), f32))
    mh, m1, m2, m3, nh, n1, n2, n3, den = lax.fori_loop(0, _K, body, init)
    inv = 0.5 / den
    out_ref[0] = jnp.concatenate([
        0.5 * m3 + n3 * inv, 0.5 * m2 + n2 * inv,
        0.5 * m1 + n1 * inv, 0.5 * mh + nh * inv, xb], axis=1)


def _edge_mlp(xg, x, wa, wb, b1, w2, b2, m1w1, m1b1, m1w2, m1b2,
              m2w1, m2b1, m2w2, m2b2, llw, llb, a1, a1b, a2, a2b):
    full = lambda b, n: (0, 0)
    wspec = lambda arr: pl.BlockSpec(arr.shape, full)
    return pl.pallas_call(
        _mlp_body,
        grid=(_B, _N // _BLK),
        in_specs=[
            pl.BlockSpec((_K, _BLK, _D), lambda b, n: (b, n, 0)),
            pl.BlockSpec((1, _BLK, _D), lambda b, n: (b, n, 0)),
        ] + [wspec(a) for a in (wa, wb, b1, w2, b2, m1w1, m1b1, m1w2, m1b2,
                                m2w1, m2b1, m2w2, m2b2, llw, llb, a1, a1b,
                                a2, a2b)],
        out_specs=pl.BlockSpec((1, _BLK, _COUT), lambda b, n: (b, n, 0)),
        out_shape=jax.ShapeDtypeStruct((_B, _N, _COUT), jnp.float32),
    )(xg, x, wa, wb, b1, w2, b2, m1w1, m1b1, m1w2, m1b2,
      m2w1, m2b1, m2w2, m2b2, llw, llb, a1, a1b, a2, a2b)


def kernel(x, pos, lf_W1, lf_b1, lf_W2, lf_b2, m1_W1, m1_b1, m1_W2, m1_b2,
           m2_W1, m2_b1, m2_W2, m2_b2, ll_W, ll_b,
           att_W1, att_b1, att_W2, att_b2):
    knn = _topk_indices(pos)
    idx_flat = jnp.transpose(knn, (0, 2, 1)).reshape(-1)
    xg = _sc_gather(x.reshape(_B * _N, _D), idx_flat)
    xg = xg.reshape(_B * _K, _N, _D)

    wa = lf_W1[:_D] - lf_W1[2 * _D:]
    wb = lf_W1[_D:2 * _D] + lf_W1[2 * _D:]
    g = _GR
    m1w1 = jnp.concatenate([m1_W1[g:g + _D], m1_W1[:g]], axis=0)
    m2w1 = jnp.concatenate([m2_W1[2 * g:2 * g + _D], m2_W1[g:2 * g],
                            m2_W1[:g]], axis=0)
    llw = jnp.concatenate([ll_W[3 * g:3 * g + _D], ll_W[2 * g:3 * g],
                           ll_W[g:2 * g], ll_W[:g]], axis=0)
    a1 = jnp.concatenate([att_W1[4 * g:4 * g + _D], att_W1[3 * g:4 * g],
                          att_W1[2 * g:3 * g], att_W1[g:2 * g],
                          att_W1[:g]], axis=0)
    row = lambda v: v.reshape(1, -1)
    return _edge_mlp(xg, x, wa, wb, row(lf_b1), lf_W2, row(lf_b2),
                     m1w1, row(m1_b1), m1_W2, row(m1_b2),
                     m2w1, row(m2_b1), m2_W2, row(m2_b2),
                     llw, row(ll_b), a1, row(att_b1),
                     att_W2.reshape(1, -1), att_b2.reshape(1, 1))

# --- scband reference (transcript-rebuilt; emitter-appended) ---
"""Pipeline reference for scband-dense-edge-conv-68667937129280 (READ-ONLY COPY).

The authoritative reference and input builder live on the scoring server;
editing this copy changes nothing except your own understanding.
"""

import jax, jax.numpy as jnp
import numpy as np

B, N, D = 4, 1024, 128
K = 16
NUM_FC = 4
GR = 64
C_OUT = D + NUM_FC * GR  # 384


def _lin(k, fin, fout):
    scale = 1.0 / np.sqrt(fin)
    kw, kb = jax.random.split(k)
    W = jax.random.uniform(kw, (fin, fout), minval=-scale, maxval=scale, dtype=jnp.float32)
    b = jax.random.uniform(kb, (fout,), minval=-scale, maxval=scale, dtype=jnp.float32)
    return W, b


def setup_inputs(seed: int = 0) -> dict:
    key = jax.random.key(seed)
    ks = jax.random.split(key, 12)
    inp = {}
    inp["x"] = jax.random.normal(ks[0], (B, N, D), dtype=jnp.float32)
    inp["pos"] = jax.random.normal(ks[1], (B, N, 3), dtype=jnp.float32)
    # layer_first: FCLayer_first(3*D, 4*D, GR): Linear(3D,4D)+relu -> Linear(4D,GR)+relu
    inp["lf_W1"], inp["lf_b1"] = _lin(ks[2], 3 * D, 4 * D)
    inp["lf_W2"], inp["lf_b2"] = _lin(ks[3], 4 * D, GR)
    # mid layers i=1..NUM_FC-2: MlpX(D+i*GR, (D+i*GR)*2, GR)
    inp["m1_W1"], inp["m1_b1"] = _lin(ks[4], D + GR, (D + GR) * 2)
    inp["m1_W2"], inp["m1_b2"] = _lin(ks[5], (D + GR) * 2, GR)
    inp["m2_W1"], inp["m2_b1"] = _lin(ks[6], D + 2 * GR, (D + 2 * GR) * 2)
    inp["m2_W2"], inp["m2_b2"] = _lin(ks[7], (D + 2 * GR) * 2, GR)
    # layer_last: FCLayer(D+(NUM_FC-1)*GR, GR, activation=None)
    inp["ll_W"], inp["ll_b"] = _lin(ks[8], D + (NUM_FC - 1) * GR, GR)
    # LearnableAggregator attention: Linear(C,C//4)+relu -> Linear(C//4,1)+sigmoid
    inp["att_W1"], inp["att_b1"] = _lin(ks[9], C_OUT, C_OUT // 4)
    inp["att_W2"], inp["att_b2"] = _lin(ks[10], C_OUT // 4, 1)
    return inp


def get_knn_idx(pos, query, k, offset=0):
    # pos: (B, N, 3), query: (B, M, 3) -> (B, M, k) int indices
    dist = jnp.sum((query[:, :, None, :] - pos[:, None, :, :]) ** 2, axis=-1)
    idx = jnp.argsort(dist, axis=-1)[:, :, offset:k + offset]
    return idx


def knn_group(x, idx):
    # x: (B, N, d), idx: (B, M, K) -> (B, M, K, d)
    return jax.vmap(lambda xb, ib: xb[ib])(x, idx)


def reference(x, pos, lf_W1, lf_b1, lf_W2, lf_b2,
              m1_W1, m1_b1, m1_W2, m1_b2,
              m2_W1, m2_b1, m2_W2, m2_b2,
              ll_W, ll_b, att_W1, att_b1, att_W2, att_b2):
    knn_idx = get_knn_idx(pos, pos, k=K, offset=1)          # (B, N, K)
    knn_feat = knn_group(x, knn_idx)                        # (B, N, K, D)
    x_tiled = jnp.broadcast_to(x[:, :, None, :], knn_feat.shape)
    edge_feat = jnp.concatenate([x_tiled, knn_feat, knn_feat - x_tiled], axis=3)  # (B,N,K,3D)
    # layer_first
    h = jax.nn.relu(edge_feat @ lf_W1 + lf_b1)
    h = jax.nn.relu(h @ lf_W2 + lf_b2)                      # (B,N,K,GR)
    y = jnp.concatenate([h, x_tiled], axis=-1)              # (B,N,K,D+GR)
    # dense mid layers
    for (W1, b1, W2, b2) in [(m1_W1, m1_b1, m1_W2, m1_b2), (m2_W1, m2_b1, m2_W2, m2_b2)]:
        z = jax.nn.relu(y @ W1 + b1)
        z = jax.nn.relu(z @ W2 + b2)
        y = jnp.concatenate([z, y], axis=-1)
    # layer_last (no activation)
    z = y @ ll_W + ll_b
    y = jnp.concatenate([z, y], axis=-1)                    # (B,N,K,C_OUT)
    # LearnableAggregator: 0.5 * max + 0.5 * attention-weighted sum
    base_res = jnp.max(y, axis=-2)                          # (B,N,C_OUT)
    Bq, Nq, Kq, C = y.shape
    y_flat = y.reshape(Bq * Nq, Kq, C)
    w = jax.nn.relu(y_flat @ att_W1 + att_b1)
    w = jax.nn.sigmoid(w @ att_W2 + att_b2)                 # (B*N, K, 1)
    w = jax.nn.softmax(w, axis=1)
    weighted = jnp.sum(y_flat * w, axis=1).reshape(Bq, Nq, C)
    return 0.5 * base_res + 0.5 * weighted

if __name__ == "__main__":
    import jax
    _d = setup_inputs()
    print(jax.jit(kernel)(*tuple(_d.values())))

</pallas_src>

<mosaic_0001>
#map = affine_map<(d0, d1) -> (0, 0)>
#map1 = affine_map<(d0, d1) -> (0, 0, 0)>
module attributes {stable_mosaic.version = 14 : i64} {
  func.func @gather(%arg0: i32, %arg1: i32, %arg2: memref<4096x128xf32, #tpu.memory_space<hbm>>, %arg3: memref<32x16x128xi32, #tpu.memory_space<hbm>>, %arg4: memref<65536x128xf32, #tpu.memory_space<hbm>>, %arg5: memref<16x128xi32, #tpu.memory_space<vmem>>, %arg6: memref<128x128xf32, #tpu.memory_space<vmem>>, %arg7: memref<128x128xf32, #tpu.memory_space<vmem>>, %arg8: memref<!tpu.dma_semaphore, #tpu.memory_space<semaphore_mem>>, %arg9: memref<!tpu.dma_semaphore, #tpu.memory_space<semaphore_mem>>) attributes {dimension_semantics = [#tpu.dimension_semantics<core_parallel>, #tpu.dimension_semantics<subcore_parallel>], iteration_bounds = array<i64: 2, 16>, scalar_prefetch = 0 : i64, scratch_operands = 5 : i64, tpu.core_type = #tpu.core_type<sc_vector_subcore>, window_params = [{transform_indices = #map}, {transform_indices = #map1}, {transform_indices = #map}]} {
    %mul3A = arith.constant 2 : i32
    %mul3A_0 = arith.muli %arg1, %mul3A : i32
    %add3A = arith.addi %mul3A_0, %arg0 : i32
    %mul3A_1 = arith.constant 2048 : i32
    %mul3A_2 = arith.muli %add3A, %mul3A_1 : i32
    "tpu.region"() ({
      %run_scoped3A = tpu.sem_alloc : memref<!tpu.dma_semaphore, #tpu.memory_space<semaphore_mem>>
      %dma_start3A_257 = arith.constant 0 : i32
      %dma_start3A_258 = arith.constant 0 : i32
      %dma_start3A_259 = tpu.memref_slice %arg3[%add3A, %dma_start3A_257, %dma_start3A_258] : memref<32x16x128xi32, #tpu.memory_space<hbm>> -> memref<1x16x128xi32, #tpu.memory_space<hbm>>
      %dma_start3A_260 = tpu.memref_squeeze %dma_start3A_259 : memref<1x16x128xi32, #tpu.memory_space<hbm>> -> memref<16x128xi32, #tpu.memory_space<hbm>>
      %dma_start3A_261 = arith.constant 0 : i32
      %dma_start3A_262 = arith.constant 0 : i32
      %dma_start3A_263 = tpu.memref_slice %arg3[%add3A, %dma_start3A_261, %dma_start3A_262] : memref<32x16x128xi32, #tpu.memory_space<hbm>> -> memref<1x16x128xi32, #tpu.memory_space<hbm>>
      %dma_start3A_264 = tpu.memref_squeeze %dma_start3A_263 : memref<1x16x128xi32, #tpu.memory_space<hbm>> -> memref<16x128xi32, #tpu.memory_space<hbm>>
      tpu.enqueue_dma source(%dma_start3A_264 : memref<16x128xi32, #tpu.memory_space<hbm>>) target(%arg5 : memref<16x128xi32, #tpu.memory_space<vmem>>) target_semaphore(%run_scoped3A : memref<!tpu.dma_semaphore, #tpu.memory_space<semaphore_mem>>)
      %dma_wait3A_265 = arith.constant 0 : i32
      %dma_wait3A_266 = arith.constant 0 : i32
      %dma_wait3A_267 = tpu.memref_slice %arg3[%add3A, %dma_wait3A_265, %dma_wait3A_266] : memref<32x16x128xi32, #tpu.memory_space<hbm>> -> memref<1x16x128xi32, #tpu.memory_space<hbm>>
      %dma_wait3A_268 = tpu.memref_squeeze %dma_wait3A_267 : memref<1x16x128xi32, #tpu.memory_space<hbm>> -> memref<16x128xi32, #tpu.memory_space<hbm>>
      %dma_wait3A_269 = arith.constant 0 : i32
      %dma_wait3A_270 = arith.constant 0 : i32
      %dma_wait3A_271 = tpu.memref_slice %arg3[%add3A, %dma_wait3A_269, %dma_wait3A_270] : memref<32x16x128xi32, #tpu.memory_space<hbm>> -> memref<1x16x128xi32, #tpu.memory_space<hbm>>
      %dma_wait3A_272 = tpu.memref_squeeze %dma_wait3A_271 : memref<1x16x128xi32, #tpu.memory_space<hbm>> -> memref<16x128xi32, #tpu.memory_space<hbm>>
      tpu.wait_dma2 semaphore(%run_scoped3A : memref<!tpu.dma_semaphore, #tpu.memory_space<semaphore_mem>>) src(%dma_wait3A_272 : memref<16x128xi32, #tpu.memory_space<hbm>>) dst(%arg5 : memref<16x128xi32, #tpu.memory_space<vmem>>)
      tpu.yield
    }) : () -> ()
    %dma_start3A = arith.constant 0 : i32
    %dma_start3A_3 = arith.constant 0 : i32
    %dma_start3A_4 = tpu.memref_slice %arg5[%dma_start3A, %dma_start3A_3] : memref<16x128xi32, #tpu.memory_space<vmem>> -> memref<1x128xi32, #tpu.memory_space<vmem>>
    %dma_start3A_5 = tpu.memref_squeeze %dma_start3A_4 : memref<1x128xi32, #tpu.memory_space<vmem>> -> memref<128xi32, #tpu.memory_space<vmem>>
    %dma_start3A_6 = arith.constant 0 : i32
    %dma_start3A_7 = arith.constant 0 : i32
    %dma_start3A_8 = tpu.memref_slice %arg2[%dma_start3A_6, %dma_start3A_7] : memref<4096x128xf32, #tpu.memory_space<hbm>> -> memref<4096x128xf32, #tpu.memory_space<hbm>>
    tpu.enqueue_indirect_dma source(%dma_start3A_8 : memref<4096x128xf32, #tpu.memory_space<hbm>>) target(%arg6 : memref<128x128xf32, #tpu.memory_space<vmem>>) offsets(%dma_start3A_5 : memref<128xi32, #tpu.memory_space<vmem>>) semaphore(%arg8 : memref<!tpu.dma_semaphore, #tpu.memory_space<semaphore_mem>>)
    %dma_start3A_9 = arith.constant 1 : i32
    %dma_start3A_10 = arith.constant 0 : i32
    %dma_start3A_11 = tpu.memref_slice %arg5[%dma_start3A_9, %dma_start3A_10] : memref<16x128xi32, #tpu.memory_space<vmem>> -> memref<1x128xi32, #tpu.memory_space<vmem>>
    %dma_start3A_12 = tpu.memref_squeeze %dma_start3A_11 : memref<1x128xi32, #tpu.memory_space<vmem>> -> memref<128xi32, #tpu.memory_space<vmem>>
    %dma_start3A_13 = arith.constant 0 : i32
    %dma_start3A_14 = arith.constant 0 : i32
    %dma_start3A_15 = tpu.memref_slice %arg2[%dma_start3A_13, %dma_start3A_14] : memref<4096x128xf32, #tpu.memory_space<hbm>> -> memref<4096x128xf32, #tpu.memory_space<hbm>>
    tpu.enqueue_indirect_dma source(%dma_start3A_15 : memref<4096x128xf32, #tpu.memory_space<hbm>>) target(%arg7 : memref<128x128xf32, #tpu.memory_space<vmem>>) offsets(%dma_start3A_12 : memref<128xi32, #tpu.memory_space<vmem>>) semaphore(%arg9 : memref<!tpu.dma_semaphore, #tpu.memory_space<semaphore_mem>>)
    %dma_wait3A = arith.constant 0 : i32
    %dma_wait3A_16 = arith.constant 0 : i32
    %dma_wait3A_17 = tpu.memref_slice %arg5[%dma_wait3A, %dma_wait3A_16] : memref<16x128xi32, #tpu.memory_space<vmem>> -> memref<1x128xi32, #tpu.memory_space<vmem>>
    %dma_wait3A_18 = tpu.memref_squeeze %dma_wait3A_17 : memref<1x128xi32, #tpu.memory_space<vmem>> -> memref<128xi32, #tpu.memory_space<vmem>>
    %dma_wait3A_19 = arith.constant 0 : i32
    %dma_wait3A_20 = arith.constant 0 : i32
    %dma_wait3A_21 = tpu.memref_slice %arg2[%dma_wait3A_19, %dma_wait3A_20] : memref<4096x128xf32, #tpu.memory_space<hbm>> -> memref<4096x128xf32, #tpu.memory_space<hbm>>
    tpu.wait_indirect_dma semaphore(%arg8 : memref<!tpu.dma_semaphore, #tpu.memory_space<semaphore_mem>>) src(%dma_wait3A_21 : memref<4096x128xf32, #tpu.memory_space<hbm>>) dst(%arg6 : memref<128x128xf32, #tpu.memory_space<vmem>>)
    %add3A_22 = arith.constant 0 : i32
    %add3A_23 = arith.addi %mul3A_2, %add3A_22 : i32
    "tpu.region"() ({
      %run_scoped3A = tpu.sem_alloc : memref<!tpu.dma_semaphore, #tpu.memory_space<semaphore_mem>>
      %dma_start3A_257 = arith.constant 0 : i32
      %dma_start3A_258 = tpu.memref_slice %arg4[%add3A_23, %dma_start3A_257] : memref<65536x128xf32, #tpu.memory_space<hbm>> -> memref<128x128xf32, #tpu.memory_space<hbm>>
      %dma_start3A_259 = arith.constant 0 : i32
      %dma_start3A_260 = tpu.memref_slice %arg4[%add3A_23, %dma_start3A_259] : memref<65536x128xf32, #tpu.memory_space<hbm>> -> memref<128x128xf32, #tpu.memory_space<hbm>>
      tpu.enqueue_dma source(%arg6 : memref<128x128xf32, #tpu.memory_space<vmem>>) target(%dma_start3A_260 : memref<128x128xf32, #tpu.memory_space<hbm>>) target_semaphore(%run_scoped3A : memref<!tpu.dma_semaphore, #tpu.memory_space<semaphore_mem>>)
      %dma_wait3A_261 = arith.constant 0 : i32
      %dma_wait3A_262 = tpu.memref_slice %arg4[%add3A_23, %dma_wait3A_261] : memref<65536x128xf32, #tpu.memory_space<hbm>> -> memref<128x128xf32, #tpu.memory_space<hbm>>
      %dma_wait3A_263 = arith.constant 0 : i32
      %dma_wait3A_264 = tpu.memref_slice %arg4[%add3A_23, %dma_wait3A_263] : memref<65536x128xf32, #tpu.memory_space<hbm>> -> memref<128x128xf32, #tpu.memory_space<hbm>>
      tpu.wait_dma2 semaphore(%run_scoped3A : memref<!tpu.dma_semaphore, #tpu.memory_space<semaphore_mem>>) src(%arg6 : memref<128x128xf32, #tpu.memory_space<vmem>>) dst(%dma_wait3A_264 : memref<128x128xf32, #tpu.memory_space<hbm>>)
      tpu.yield
    }) : () -> ()
    %dma_start3A_24 = arith.constant 2 : i32
    %dma_start3A_25 = arith.constant 0 : i32
    %dma_start3A_26 = tpu.memref_slice %arg5[%dma_start3A_24, %dma_start3A_25] : memref<16x128xi32, #tpu.memory_space<vmem>> -> memref<1x128xi32, #tpu.memory_space<vmem>>
    %dma_start3A_27 = tpu.memref_squeeze %dma_start3A_26 : memref<1x128xi32, #tpu.memory_space<vmem>> -> memref<128xi32, #tpu.memory_space<vmem>>
    %dma_start3A_28 = arith.constant 0 : i32
    %dma_start3A_29 = arith.constant 0 : i32
    %dma_start3A_30 = tpu.memref_slice %arg2[%dma_start3A_28, %dma_start3A_29] : memref<4096x128xf32, #tpu.memory_space<hbm>> -> memref<4096x128xf32, #tpu.memory_space<hbm>>
    tpu.enqueue_indirect_dma source(%dma_start3A_30 : memref<4096x128xf32, #tpu.memory_space<hbm>>) target(%arg6 : memref<128x128xf32, #tpu.memory_space<vmem>>) offsets(%dma_start3A_27 : memref<128xi32, #tpu.memory_space<vmem>>) semaphore(%arg8 : memref<!tpu.dma_semaphore, #tpu.memory_space<semaphore_mem>>)
    %dma_wait3A_31 = arith.constant 1 : i32
    %dma_wait3A_32 = arith.constant 0 : i32
    %dma_wait3A_33 = tpu.memref_slice %arg5[%dma_wait3A_31, %dma_wait3A_32] : memref<16x128xi32, #tpu.memory_space<vmem>> -> memref<1x128xi32, #tpu.memory_space<vmem>>
    %dma_wait3A_34 = tpu.memref_squeeze %dma_wait3A_33 : memref<1x128xi32, #tpu.memory_space<vmem>> -> memref<128xi32, #tpu.memory_space<vmem>>
    %dma_wait3A_35 = arith.constant 0 : i32
    %dma_wait3A_36 = arith.constant 0 : i32
    %dma_wait3A_37 = tpu.memref_slice %arg2[%dma_wait3A_35, %dma_wait3A_36] : memref<4096x128xf32, #tpu.memory_space<hbm>> -> memref<4096x128xf32, #tpu.memory_space<hbm>>
    tpu.wait_indirect_dma semaphore(%arg9 : memref<!tpu.dma_semaphore, #tpu.memory_space<semaphore_mem>>) src(%dma_wait3A_37 : memref<4096x128xf32, #tpu.memory_space<hbm>>) dst(%arg7 : memref<128x128xf32, #tpu.memory_space<vmem>>)
    %add3A_38 = arith.constant 128 : i32
    %add3A_39 = arith.addi %mul3A_2, %add3A_38 : i32
    "tpu.region"() ({
      %run_scoped3A = tpu.sem_alloc : memref<!tpu.dma_semaphore, #tpu.memory_space<semaphore_mem>>
      %dma_start3A_257 = arith.constant 0 : i32
      %dma_start3A_258 = tpu.memref_slice %arg4[%add3A_39, %dma_start3A_257] : memref<65536x128xf32, #tpu.memory_space<hbm>> -> memref<128x128xf32, #tpu.memory_space<hbm>>
      %dma_start3A_259 = arith.constant 0 : i32
      %dma_start3A_260 = tpu.memref_slice %arg4[%add3A_39, %dma_start3A_259] : memref<65536x128xf32, #tpu.memory_space<hbm>> -> memref<128x128xf32, #tpu.memory_space<hbm>>
      tpu.enqueue_dma source(%arg7 : memref<128x128xf32, #tpu.memory_space<vmem>>) target(%dma_start3A_260 : memref<128x128xf32, #tpu.memory_space<hbm>>) target_semaphore(%run_scoped3A : memref<!tpu.dma_semaphore, #tpu.memory_space<semaphore_mem>>)
      %dma_wait3A_261 = arith.constant 0 : i32
      %dma_wait3A_262 = tpu.memref_slice %arg4[%add3A_39, %dma_wait3A_261] : memref<65536x128xf32, #tpu.memory_space<hbm>> -> memref<128x128xf32, #tpu.memory_space<hbm>>
      %dma_wait3A_263 = arith.constant 0 : i32
      %dma_wait3A_264 = tpu.memref_slice %arg4[%add3A_39, %dma_wait3A_263] : memref<65536x128xf32, #tpu.memory_space<hbm>> -> memref<128x128xf32, #tpu.memory_space<hbm>>
      tpu.wait_dma2 semaphore(%run_scoped3A : memref<!tpu.dma_semaphore, #tpu.memory_space<semaphore_mem>>) src(%arg7 : memref<128x128xf32, #tpu.memory_space<vmem>>) dst(%dma_wait3A_264 : memref<128x128xf32, #tpu.memory_space<hbm>>)
      tpu.yield
    }) : () -> ()
    %dma_start3A_40 = arith.constant 3 : i32
    %dma_start3A_41 = arith.constant 0 : i32
    %dma_start3A_42 = tpu.memref_slice %arg5[%dma_start3A_40, %dma_start3A_41] : memref<16x128xi32, #tpu.memory_space<vmem>> -> memref<1x128xi32, #tpu.memory_space<vmem>>
    %dma_start3A_43 = tpu.memref_squeeze %dma_start3A_42 : memref<1x128xi32, #tpu.memory_space<vmem>> -> memref<128xi32, #tpu.memory_space<vmem>>
    %dma_start3A_44 = arith.constant 0 : i32
    %dma_start3A_45 = arith.constant 0 : i32
    %dma_start3A_46 = tpu.memref_slice %arg2[%dma_start3A_44, %dma_start3A_45] : memref<4096x128xf32, #tpu.memory_space<hbm>> -> memref<4096x128xf32, #tpu.memory_space<hbm>>
    tpu.enqueue_indirect_dma source(%dma_start3A_46 : memref<4096x128xf32, #tpu.memory_space<hbm>>) target(%arg7 : memref<128x128xf32, #tpu.memory_space<vmem>>) offsets(%dma_start3A_43 : memref<128xi32, #tpu.memory_space<vmem>>) semaphore(%arg9 : memref<!tpu.dma_semaphore, #tpu.memory_space<semaphore_mem>>)
    %dma_wait3A_47 = arith.constant 2 : i32
    %dma_wait3A_48 = arith.constant 0 : i32
    %dma_wait3A_49 = tpu.memref_slice %arg5[%dma_wait3A_47, %dma_wait3A_48] : memref<16x128xi32, #tpu.memory_space<vmem>> -> memref<1x128xi32, #tpu.memory_space<vmem>>
    %dma_wait3A_50 = tpu.memref_squeeze %dma_wait3A_49 : memref<1x128xi32, #tpu.memory_space<vmem>> -> memref<128xi32, #tpu.memory_space<vmem>>
    %dma_wait3A_51 = arith.constant 0 : i32
    %dma_wait3A_52 = arith.constant 0 : i32
    %dma_wait3A_53 = tpu.memref_slice %arg2[%dma_wait3A_51, %dma_wait3A_52] : memref<4096x128xf32, #tpu.memory_space<hbm>> -> memref<4096x128xf32, #tpu.memory_space<hbm>>
    tpu.wait_indirect_dma semaphore(%arg8 : memref<!tpu.dma_semaphore, #tpu.memory_space<semaphore_mem>>) src(%dma_wait3A_53 : memref<4096x128xf32, #tpu.memory_space<hbm>>) dst(%arg6 : memref<128x128xf32, #tpu.memory_space<vmem>>)
    %add3A_54 = arith.constant 256 : i32
    %add3A_55 = arith.addi %mul3A_2, %add3A_54 : i32
    "tpu.region"() ({
      %run_scoped3A = tpu.sem_alloc : memref<!tpu.dma_semaphore, #tpu.memory_space<semaphore_mem>>
      %dma_start3A_257 = arith.constant 0 : i32
      %dma_start3A_258 = tpu.memref_slice %arg4[%add3A_55, %dma_start3A_257] : memref<65536x128xf32, #tpu.memory_space<hbm>> -> memref<128x128xf32, #tpu.memory_space<hbm>>
      %dma_start3A_259 = arith.constant 0 : i32
      %dma_start3A_260 = tpu.memref_slice %arg4[%add3A_55, %dma_start3A_259] : memref<65536x128xf32, #tpu.memory_space<hbm>> -> memref<128x128xf32, #tpu.memory_space<hbm>>
      tpu.enqueue_dma source(%arg6 : memref<128x128xf32, #tpu.memory_space<vmem>>) target(%dma_start3A_260 : memref<128x128xf32, #tpu.memory_space<hbm>>) target_semaphore(%run_scoped3A : memref<!tpu.dma_semaphore, #tpu.memory_space<semaphore_mem>>)
      %dma_wait3A_261 = arith.constant 0 : i32
      %dma_wait3A_262 = tpu.memref_slice %arg4[%add3A_55, %dma_wait3A_261] : memref<65536x128xf32, #tpu.memory_space<hbm>> -> memref<128x128xf32, #tpu.memory_space<hbm>>
      %dma_wait3A_263 = arith.constant 0 : i32
      %dma_wait3A_264 = tpu.memref_slice %arg4[%add3A_55, %dma_wait3A_263] : memref<65536x128xf32, #tpu.memory_space<hbm>> -> memref<128x128xf32, #tpu.memory_space<hbm>>
      tpu.wait_dma2 semaphore(%run_scoped3A : memref<!tpu.dma_semaphore, #tpu.memory_space<semaphore_mem>>) src(%arg6 : memref<128x128xf32, #tpu.memory_space<vmem>>) dst(%dma_wait3A_264 : memref<128x128xf32, #tpu.memory_space<hbm>>)
      tpu.yield
    }) : () -> ()
    %dma_start3A_56 = arith.constant 4 : i32
    %dma_start3A_57 = arith.constant 0 : i32
    %dma_start3A_58 = tpu.memref_slice %arg5[%dma_start3A_56, %dma_start3A_57] : memref<16x128xi32, #tpu.memory_space<vmem>> -> memref<1x128xi32, #tpu.memory_space<vmem>>
    %dma_start3A_59 = tpu.memref_squeeze %dma_start3A_58 : memref<1x128xi32, #tpu.memory_space<vmem>> -> memref<128xi32, #tpu.memory_space<vmem>>
    %dma_start3A_60 = arith.constant 0 : i32
    %dma_start3A_61 = arith.constant 0 : i32
    %dma_start3A_62 = tpu.memref_slice %arg2[%dma_start3A_60, %dma_start3A_61] : memref<4096x128xf32, #tpu.memory_space<hbm>> -> memref<4096x128xf32, #tpu.memory_space<hbm>>
    tpu.enqueue_indirect_dma source(%dma_start3A_62 : memref<4096x128xf32, #tpu.memory_space<hbm>>) target(%arg6 : memref<128x128xf32, #tpu.memory_space<vmem>>) offsets(%dma_start3A_59 : memref<128xi32, #tpu.memory_space<vmem>>) semaphore(%arg8 : memref<!tpu.dma_semaphore, #tpu.memory_space<semaphore_mem>>)
    %dma_wait3A_63 = arith.constant 3 : i32
    %dma_wait3A_64 = arith.constant 0 : i32
    %dma_wait3A_65 = tpu.memref_slice %arg5[%dma_wait3A_63, %dma_wait3A_64] : memref<16x128xi32, #tpu.memory_space<vmem>> -> memref<1x128xi32, #tpu.memory_space<vmem>>
    %dma_wait3A_66 = tpu.memref_squeeze %dma_wait3A_65 : memref<1x128xi32, #tpu.memory_space<vmem>> -> memref<128xi32, #tpu.memory_space<vmem>>
    %dma_wait3A_67 = arith.constant 0 : i32
    %dma_wait3A_68 = arith.constant 0 : i32
    %dma_wait3A_69 = tpu.memref_slice %arg2[%dma_wait3A_67, %dma_wait3A_68] : memref<4096x128xf32, #tpu.memory_space<hbm>> -> memref<4096x128xf32, #tpu.memory_space<hbm>>
    tpu.wait_indirect_dma semaphore(%arg9 : memref<!tpu.dma_semaphore, #tpu.memory_space<semaphore_mem>>) src(%dma_wait3A_69 : memref<4096x128xf32, #tpu.memory_space<hbm>>) dst(%arg7 : memref<128x128xf32, #tpu.memory_space<vmem>>)
    %add3A_70 = arith.constant 384 : i32
    %add3A_71 = arith.addi %mul3A_2, %add3A_70 : i32
    "tpu.region"() ({
      %run_scoped3A = tpu.sem_alloc : memref<!tpu.dma_semaphore, #tpu.memory_space<semaphore_mem>>
      %dma_start3A_257 = arith.constant 0 : i32
      %dma_start3A_258 = tpu.memref_slice %arg4[%add3A_71, %dma_start3A_257] : memref<65536x128xf32, #tpu.memory_space<hbm>> -> memref<128x128xf32, #tpu.memory_space<hbm>>
      %dma_start3A_259 = arith.constant 0 : i32
      %dma_start3A_260 = tpu.memref_slice %arg4[%add3A_71, %dma_start3A_259] : memref<65536x128xf32, #tpu.memory_space<hbm>> -> memref<128x128xf32, #tpu.memory_space<hbm>>
      tpu.enqueue_dma source(%arg7 : memref<128x128xf32, #tpu.memory_space<vmem>>) target(%dma_start3A_260 : memref<128x128xf32, #tpu.memory_space<hbm>>) target_semaphore(%run_scoped3A : memref<!tpu.dma_semaphore, #tpu.memory_space<semaphore_mem>>)
      %dma_wait3A_261 = arith.constant 0 : i32
      %dma_wait3A_262 = tpu.memref_slice %arg4[%add3A_71, %dma_wait3A_261] : memref<65536x128xf32, #tpu.memory_space<hbm>> -> memref<128x128xf32, #tpu.memory_space<hbm>>
      %dma_wait3A_263 = arith.constant 0 : i32
      %dma_wait3A_264 = tpu.memref_slice %arg4[%add3A_71, %dma_wait3A_263] : memref<65536x128xf32, #tpu.memory_space<hbm>> -> memref<128x128xf32, #tpu.memory_space<hbm>>
      tpu.wait_dma2 semaphore(%run_scoped3A : memref<!tpu.dma_semaphore, #tpu.memory_space<semaphore_mem>>) src(%arg7 : memref<128x128xf32, #tpu.memory_space<vmem>>) dst(%dma_wait3A_264 : memref<128x128xf32, #tpu.memory_space<hbm>>)
      tpu.yield
    }) : () -> ()
    %dma_start3A_72 = arith.constant 5 : i32
    %dma_start3A_73 = arith.constant 0 : i32
    %dma_start3A_74 = tpu.memref_slice %arg5[%dma_start3A_72, %dma_start3A_73] : memref<16x128xi32, #tpu.memory_space<vmem>> -> memref<1x128xi32, #tpu.memory_space<vmem>>
    %dma_start3A_75 = tpu.memref_squeeze %dma_start3A_74 : memref<1x128xi32, #tpu.memory_space<vmem>> -> memref<128xi32, #tpu.memory_space<vmem>>
    %dma_start3A_76 = arith.constant 0 : i32
    %dma_start3A_77 = arith.constant 0 : i32
    %dma_start3A_78 = tpu.memref_slice %arg2[%dma_start3A_76, %dma_start3A_77] : memref<4096x128xf32, #tpu.memory_space<hbm>> -> memref<4096x128xf32, #tpu.memory_space<hbm>>
    tpu.enqueue_indirect_dma source(%dma_start3A_78 : memref<4096x128xf32, #tpu.memory_space<hbm>>) target(%arg7 : memref<128x128xf32, #tpu.memory_space<vmem>>) offsets(%dma_start3A_75 : memref<128xi32, #tpu.memory_space<vmem>>) semaphore(%arg9 : memref<!tpu.dma_semaphore, #tpu.memory_space<semaphore_mem>>)
    %dma_wait3A_79 = arith.constant 4 : i32
    %dma_wait3A_80 = arith.constant 0 : i32
    %dma_wait3A_81 = tpu.memref_slice %arg5[%dma_wait3A_79, %dma_wait3A_80] : memref<16x128xi32, #tpu.memory_space<vmem>> -> memref<1x128xi32, #tpu.memory_space<vmem>>
    %dma_wait3A_82 = tpu.memref_squeeze %dma_wait3A_81 : memref<1x128xi32, #tpu.memory_space<vmem>> -> memref<128xi32, #tpu.memory_space<vmem>>
    %dma_wait3A_83 = arith.constant 0 : i32
    %dma_wait3A_84 = arith.constant 0 : i32
    %dma_wait3A_85 = tpu.memref_slice %arg2[%dma_wait3A_83, %dma_wait3A_84] : memref<4096x128xf32, #tpu.memory_space<hbm>> -> memref<4096x128xf32, #tpu.memory_space<hbm>>
    tpu.wait_indirect_dma semaphore(%arg8 : memref<!tpu.dma_semaphore, #tpu.memory_space<semaphore_mem>>) src(%dma_wait3A_85 : memref<4096x128xf32, #tpu.memory_space<hbm>>) dst(%arg6 : memref<128x128xf32, #tpu.memory_space<vmem>>)
    %add3A_86 = arith.constant 512 : i32
    %add3A_87 = arith.addi %mul3A_2, %add3A_86 : i32
    "tpu.region"() ({
      %run_scoped3A = tpu.sem_alloc : memref<!tpu.dma_semaphore, #tpu.memory_space<semaphore_mem>>
      %dma_start3A_257 = arith.constant 0 : i32
      %dma_start3A_258 = tpu.memref_slice %arg4[%add3A_87, %dma_start3A_257] : memref<65536x128xf32, #tpu.memory_space<hbm>> -> memref<128x128xf32, #tpu.memory_space<hbm>>
      %dma_start3A_259 = arith.constant 0 : i32
      %dma_start3A_260 = tpu.memref_slice %arg4[%add3A_87, %dma_start3A_259] : memref<65536x128xf32, #tpu.memory_space<hbm>> -> memref<128x128xf32, #tpu.memory_space<hbm>>
      tpu.enqueue_dma source(%arg6 : memref<128x128xf32, #tpu.memory_space<vmem>>) target(%dma_start3A_260 : memref<128x128xf32, #tpu.memory_space<hbm>>) target_semaphore(%run_scoped3A : memref<!tpu.dma_semaphore, #tpu.memory_space<semaphore_mem>>)
      %dma_wait3A_261 = arith.constant 0 : i32
      %dma_wait3A_262 = tpu.memref_slice %arg4[%add3A_87, %dma_wait3A_261] : memref<65536x128xf32, #tpu.memory_space<hbm>> -> memref<128x128xf32, #tpu.memory_space<hbm>>
      %dma_wait3A_263 = arith.constant 0 : i32
      %dma_wait3A_264 = tpu.memref_slice %arg4[%add3A_87, %dma_wait3A_263] : memref<65536x128xf32, #tpu.memory_space<hbm>> -> memref<128x128xf32, #tpu.memory_space<hbm>>
      tpu.wait_dma2 semaphore(%run_scoped3A : memref<!tpu.dma_semaphore, #tpu.memory_space<semaphore_mem>>) src(%arg6 : memref<128x128xf32, #tpu.memory_space<vmem>>) dst(%dma_wait3A_264 : memref<128x128xf32, #tpu.memory_space<hbm>>)
      tpu.yield
    }) : () -> ()
    %dma_start3A_88 = arith.constant 6 : i32
    %dma_start3A_89 = arith.constant 0 : i32
    %dma_start3A_90 = tpu.memref_slice %arg5[%dma_start3A_88, %dma_start3A_89] : memref<16x128xi32, #tpu.memory_space<vmem>> -> memref<1x128xi32, #tpu.memory_space<vmem>>
    %dma_start3A_91 = tpu.memref_squeeze %dma_start3A_90 : memref<1x128xi32, #tpu.memory_space<vmem>> -> memref<128xi32, #tpu.memory_space<vmem>>
    %dma_start3A_92 = arith.constant 0 : i32
    %dma_start3A_93 = arith.constant 0 : i32
    %dma_start3A_94 = tpu.memref_slice %arg2[%dma_start3A_92, %dma_start3A_93] : memref<4096x128xf32, #tpu.memory_space<hbm>> -> memref<4096x128xf32, #tpu.memory_space<hbm>>
    tpu.enqueue_indirect_dma source(%dma_start3A_94 : memref<4096x128xf32, #tpu.memory_space<hbm>>) target(%arg6 : memref<128x128xf32, #tpu.memory_space<vmem>>) offsets(%dma_start3A_91 : memref<128xi32, #tpu.memory_space<vmem>>) semaphore(%arg8 : memref<!tpu.dma_semaphore, #tpu.memory_space<semaphore_mem>>)
    %dma_wait3A_95 = arith.constant 5 : i32
    %dma_wait3A_96 = arith.constant 0 : i32
    %dma_wait3A_97 = tpu.memref_slice %arg5[%dma_wait3A_95, %dma_wait3A_96] : memref<16x128xi32, #tpu.memory_space<vmem>> -> memref<1x128xi32, #tpu.memory_space<vmem>>
    %dma_wait3A_98 = tpu.memref_squeeze %dma_wait3A_97 : memref<1x128xi32, #tpu.memory_space<vmem>> -> memref<128xi32, #tpu.memory_space<vmem>>
    %dma_wait3A_99 = arith.constant 0 : i32
    %dma_wait3A_100 = arith.constant 0 : i32
    %dma_wait3A_101 = tpu.memref_slice %arg2[%dma_wait3A_99, %dma_wait3A_100] : memref<4096x128xf32, #tpu.memory_space<hbm>> -> memref<4096x128xf32, #tpu.memory_space<hbm>>
    tpu.wait_indirect_dma semaphore(%arg9 : memref<!tpu.dma_semaphore, #tpu.memory_space<semaphore_mem>>) src(%dma_wait3A_101 : memref<4096x128xf32, #tpu.memory_space<hbm>>) dst(%arg7 : memref<128x128xf32, #tpu.memory_space<vmem>>)
    %add3A_102 = arith.constant 640 : i32
    %add3A_103 = arith.addi %mul3A_2, %add3A_102 : i32
    "tpu.region"() ({
      %run_scoped3A = tpu.sem_alloc : memref<!tpu.dma_semaphore, #tpu.memory_space<semaphore_mem>>
      %dma_start3A_257 = arith.constant 0 : i32
      %dma_start3A_258 = tpu.memref_slice %arg4[%add3A_103, %dma_start3A_257] : memref<65536x128xf32, #tpu.memory_space<hbm>> -> memref<128x128xf32, #tpu.memory_space<hbm>>
      %dma_start3A_259 = arith.constant 0 : i32
      %dma_start3A_260 = tpu.memref_slice %arg4[%add3A_103, %dma_start3A_259] : memref<65536x128xf32, #tpu.memory_space<hbm>> -> memref<128x128xf32, #tpu.memory_space<hbm>>
      tpu.enqueue_dma source(%arg7 : memref<128x128xf32, #tpu.memory_space<vmem>>) target(%dma_start3A_260 : memref<128x128xf32, #tpu.memory_space<hbm>>) target_semaphore(%run_scoped3A : memref<!tpu.dma_semaphore, #tpu.memory_space<semaphore_mem>>)
      %dma_wait3A_261 = arith.constant 0 : i32
      %dma_wait3A_262 = tpu.memref_slice %arg4[%add3A_103, %dma_wait3A_261] : memref<65536x128xf32, #tpu.memory_space<hbm>> -> memref<128x128xf32, #tpu.memory_space<hbm>>
      %dma_wait3A_263 = arith.constant 0 : i32
      %dma_wait3A_264 = tpu.memref_slice %arg4[%add3A_103, %dma_wait3A_263] : memref<65536x128xf32, #tpu.memory_space<hbm>> -> memref<128x128xf32, #tpu.memory_space<hbm>>
      tpu.wait_dma2 semaphore(%run_scoped3A : memref<!tpu.dma_semaphore, #tpu.memory_space<semaphore_mem>>) src(%arg7 : memref<128x128xf32, #tpu.memory_space<vmem>>) dst(%dma_wait3A_264 : memref<128x128xf32, #tpu.memory_space<hbm>>)
      tpu.yield
    }) : () -> ()
    %dma_start3A_104 = arith.constant 7 : i32
    %dma_start3A_105 = arith.constant 0 : i32
    %dma_start3A_106 = tpu.memref_slice %arg5[%dma_start3A_104, %dma_start3A_105] : memref<16x128xi32, #tpu.memory_space<vmem>> -> memref<1x128xi32, #tpu.memory_space<vmem>>
    %dma_start3A_107 = tpu.memref_squeeze %dma_start3A_106 : memref<1x128xi32, #tpu.memory_space<vmem>> -> memref<128xi32, #tpu.memory_space<vmem>>
    %dma_start3A_108 = arith.constant 0 : i32
    %dma_start3A_109 = arith.constant 0 : i32
    %dma_start3A_110 = tpu.memref_slice %arg2[%dma_start3A_108, %dma_start3A_109] : memref<4096x128xf32, #tpu.memory_space<hbm>> -> memref<4096x128xf32, #tpu.memory_space<hbm>>
    tpu.enqueue_indirect_dma source(%dma_start3A_110 : memref<4096x128xf32, #tpu.memory_space<hbm>>) target(%arg7 : memref<128x128xf32, #tpu.memory_space<vmem>>) offsets(%dma_start3A_107 : memref<128xi32, #tpu.memory_space<vmem>>) semaphore(%arg9 : memref<!tpu.dma_semaphore, #tpu.memory_space<semaphore_mem>>)
    %dma_wait3A_111 = arith.constant 6 : i32
    %dma_wait3A_112 = arith.constant 0 : i32
    %dma_wait3A_113 = tpu.memref_slice %arg5[%dma_wait3A_111, %dma_wait3A_112] : memref<16x128xi32, #tpu.memory_space<vmem>> -> memref<1x128xi32, #tpu.memory_space<vmem>>
    %dma_wait3A_114 = tpu.memref_squeeze %dma_wait3A_113 : memref<1x128xi32, #tpu.memory_space<vmem>> -> memref<128xi32, #tpu.memory_space<vmem>>
    %dma_wait3A_115 = arith.constant 0 : i32
    %dma_wait3A_116 = arith.constant 0 : i32
    %dma_wait3A_117 = tpu.memref_slice %arg2[%dma_wait3A_115, %dma_wait3A_116] : memref<4096x128xf32, #tpu.memory_space<hbm>> -> memref<4096x128xf32, #tpu.memory_space<hbm>>
    tpu.wait_indirect_dma semaphore(%arg8 : memref<!tpu.dma_semaphore, #tpu.memory_space<semaphore_mem>>) src(%dma_wait3A_117 : memref<4096x128xf32, #tpu.memory_space<hbm>>) dst(%arg6 : memref<128x128xf32, #tpu.memory_space<vmem>>)
    %add3A_118 = arith.constant 768 : i32
    %add3A_119 = arith.addi %mul3A_2, %add3A_118 : i32
    "tpu.region"() ({
      %run_scoped3A = tpu.sem_alloc : memref<!tpu.dma_semaphore, #tpu.memory_space<semaphore_mem>>
      %dma_start3A_257 = arith.constant 0 : i32
      %dma_start3A_258 = tpu.memref_slice %arg4[%add3A_119, %dma_start3A_257] : memref<65536x128xf32, #tpu.memory_space<hbm>> -> memref<128x128xf32, #tpu.memory_space<hbm>>
      %dma_start3A_259 = arith.constant 0 : i32
      %dma_start3A_260 = tpu.memref_slice %arg4[%add3A_119, %dma_start3A_259] : memref<65536x128xf32, #tpu.memory_space<hbm>> -> memref<128x128xf32, #tpu.memory_space<hbm>>
      tpu.enqueue_dma source(%arg6 : memref<128x128xf32, #tpu.memory_space<vmem>>) target(%dma_start3A_260 : memref<128x128xf32, #tpu.memory_space<hbm>>) target_semaphore(%run_scoped3A : memref<!tpu.dma_semaphore, #tpu.memory_space<semaphore_mem>>)
      %dma_wait3A_261 = arith.constant 0 : i32
      %dma_wait3A_262 = tpu.memref_slice %arg4[%add3A_119, %dma_wait3A_261] : memref<65536x128xf32, #tpu.memory_space<hbm>> -> memref<128x128xf32, #tpu.memory_space<hbm>>
      %dma_wait3A_263 = arith.constant 0 : i32
      %dma_wait3A_264 = tpu.memref_slice %arg4[%add3A_119, %dma_wait3A_263] : memref<65536x128xf32, #tpu.memory_space<hbm>> -> memref<128x128xf32, #tpu.memory_space<hbm>>
      tpu.wait_dma2 semaphore(%run_scoped3A : memref<!tpu.dma_semaphore, #tpu.memory_space<semaphore_mem>>) src(%arg6 : memref<128x128xf32, #tpu.memory_space<vmem>>) dst(%dma_wait3A_264 : memref<128x128xf32, #tpu.memory_space<hbm>>)
      tpu.yield
    }) : () -> ()
    %dma_start3A_120 = arith.constant 8 : i32
    %dma_start3A_121 = arith.constant 0 : i32
    %dma_start3A_122 = tpu.memref_slice %arg5[%dma_start3A_120, %dma_start3A_121] : memref<16x128xi32, #tpu.memory_space<vmem>> -> memref<1x128xi32, #tpu.memory_space<vmem>>
    %dma_start3A_123 = tpu.memref_squeeze %dma_start3A_122 : memref<1x128xi32, #tpu.memory_space<vmem>> -> memref<128xi32, #tpu.memory_space<vmem>>
    %dma_start3A_124 = arith.constant 0 : i32
    %dma_start3A_125 = arith.constant 0 : i32
    %dma_start3A_126 = tpu.memref_slice %arg2[%dma_start3A_124, %dma_start3A_125] : memref<4096x128xf32, #tpu.memory_space<hbm>> -> memref<4096x128xf32, #tpu.memory_space<hbm>>
    tpu.enqueue_indirect_dma source(%dma_start3A_126 : memref<4096x128xf32, #tpu.memory_space<hbm>>) target(%arg6 : memref<128x128xf32, #tpu.memory_space<vmem>>) offsets(%dma_start3A_123 : memref<128xi32, #tpu.memory_space<vmem>>) semaphore(%arg8 : memref<!tpu.dma_semaphore, #tpu.memory_space<semaphore_mem>>)
    %dma_wait3A_127 = arith.constant 7 : i32
    %dma_wait3A_128 = arith.constant 0 : i32
    %dma_wait3A_129 = tpu.memref_slice %arg5[%dma_wait3A_127, %dma_wait3A_128] : memref<16x128xi32, #tpu.memory_space<vmem>> -> memref<1x128xi32, #tpu.memory_space<vmem>>
    %dma_wait3A_130 = tpu.memref_squeeze %dma_wait3A_129 : memref<1x128xi32, #tpu.memory_space<vmem>> -> memref<128xi32, #tpu.memory_space<vmem>>
    %dma_wait3A_131 = arith.constant 0 : i32
    %dma_wait3A_132 = arith.constant 0 : i32
    %dma_wait3A_133 = tpu.memref_slice %arg2[%dma_wait3A_131, %dma_wait3A_132] : memref<4096x128xf32, #tpu.memory_space<hbm>> -> memref<4096x128xf32, #tpu.memory_space<hbm>>
    tpu.wait_indirect_dma semaphore(%arg9 : memref<!tpu.dma_semaphore, #tpu.memory_space<semaphore_mem>>) src(%dma_wait3A_133 : memref<4096x128xf32, #tpu.memory_space<hbm>>) dst(%arg7 : memref<128x128xf32, #tpu.memory_space<vmem>>)
    %add3A_134 = arith.constant 896 : i32
    %add3A_135 = arith.addi %mul3A_2, %add3A_134 : i32
    "tpu.region"() ({
      %run_scoped3A = tpu.sem_alloc : memref<!tpu.dma_semaphore, #tpu.memory_space<semaphore_mem>>
      %dma_start3A_257 = arith.constant 0 : i32
      %dma_start3A_258 = tpu.memref_slice %arg4[%add3A_135, %dma_start3A_257] : memref<65536x128xf32, #tpu.memory_space<hbm>> -> memref<128x128xf32, #tpu.memory_space<hbm>>
      %dma_start3A_259 = arith.constant 0 : i32
      %dma_start3A_260 = tpu.memref_slice %arg4[%add3A_135, %dma_start3A_259] : memref<65536x128xf32, #tpu.memory_space<hbm>> -> memref<128x128xf32, #tpu.memory_space<hbm>>
      tpu.enqueue_dma source(%arg7 : memref<128x128xf32, #tpu.memory_space<vmem>>) target(%dma_start3A_260 : memref<128x128xf32, #tpu.memory_space<hbm>>) target_semaphore(%run_scoped3A : memref<!tpu.dma_semaphore, #tpu.memory_space<semaphore_mem>>)
      %dma_wait3A_261 = arith.constant 0 : i32
      %dma_wait3A_262 = tpu.memref_slice %arg4[%add3A_135, %dma_wait3A_261] : memref<65536x128xf32, #tpu.memory_space<hbm>> -> memref<128x128xf32, #tpu.memory_space<hbm>>
      %dma_wait3A_263 = arith.constant 0 : i32
      %dma_wait3A_264 = tpu.memref_slice %arg4[%add3A_135, %dma_wait3A_263] : memref<65536x128xf32, #tpu.memory_space<hbm>> -> memref<128x128xf32, #tpu.memory_space<hbm>>
      tpu.wait_dma2 semaphore(%run_scoped3A : memref<!tpu.dma_semaphore, #tpu.memory_space<semaphore_mem>>) src(%arg7 : memref<128x128xf32, #tpu.memory_space<vmem>>) dst(%dma_wait3A_264 : memref<128x128xf32, #tpu.memory_space<hbm>>)
      tpu.yield
    }) : () -> ()
    %dma_start3A_136 = arith.constant 9 : i32
    %dma_start3A_137 = arith.constant 0 : i32
    %dma_start3A_138 = tpu.memref_slice %arg5[%dma_start3A_136, %dma_start3A_137] : memref<16x128xi32, #tpu.memory_space<vmem>> -> memref<1x128xi32, #tpu.memory_space<vmem>>
    %dma_start3A_139 = tpu.memref_squeeze %dma_start3A_138 : memref<1x128xi32, #tpu.memory_space<vmem>> -> memref<128xi32, #tpu.memory_space<vmem>>
    %dma_start3A_140 = arith.constant 0 : i32
    %dma_start3A_141 = arith.constant 0 : i32
    %dma_start3A_142 = tpu.memref_slice %arg2[%dma_start3A_140, %dma_start3A_141] : memref<4096x128xf32, #tpu.memory_space<hbm>> -> memref<4096x128xf32, #tpu.memory_space<hbm>>
    tpu.enqueue_indirect_dma source(%dma_start3A_142 : memref<4096x128xf32, #tpu.memory_space<hbm>>) target(%arg7 : memref<128x128xf32, #tpu.memory_space<vmem>>) offsets(%dma_start3A_139 : memref<128xi32, #tpu.memory_space<vmem>>) semaphore(%arg9 : memref<!tpu.dma_semaphore, #tpu.memory_space<semaphore_mem>>)
    %dma_wait3A_143 = arith.constant 8 : i32
    %dma_wait3A_144 = arith.constant 0 : i32
    %dma_wait3A_145 = tpu.memref_slice %arg5[%dma_wait3A_143, %dma_wait3A_144] : memref<16x128xi32, #tpu.memory_space<vmem>> -> memref<1x128xi32, #tpu.memory_space<vmem>>
    %dma_wait3A_146 = tpu.memref_squeeze %dma_wait3A_145 : memref<1x128xi32, #tpu.memory_space<vmem>> -> memref<128xi32, #tpu.memory_space<vmem>>
    %dma_wait3A_147 = arith.constant 0 : i32
    %dma_wait3A_148 = arith.constant 0 : i32
    %dma_wait3A_149 = tpu.memref_slice %arg2[%dma_wait3A_147, %dma_wait3A_148] : memref<4096x128xf32, #tpu.memory_space<hbm>> -> memref<4096x128xf32, #tpu.memory_space<hbm>>
    tpu.wait_indirect_dma semaphore(%arg8 : memref<!tpu.dma_semaphore, #tpu.memory_space<semaphore_mem>>) src(%dma_wait3A_149 : memref<4096x128xf32, #tpu.memory_space<hbm>>) dst(%arg6 : memref<128x128xf32, #tpu.memory_space<vmem>>)
    %add3A_150 = arith.constant 1024 : i32
    %add3A_151 = arith.addi %mul3A_2, %add3A_150 : i32
    "tpu.region"() ({
      %run_scoped3A = tpu.sem_alloc : memref<!tpu.dma_semaphore, #tpu.memory_space<semaphore_mem>>
      %dma_start3A_257 = arith.constant 0 : i32
      %dma_start3A_258 = tpu.memref_slice %arg4[%add3A_151, %dma_start3A_257] : memref<65536x128xf32, #tpu.memory_space<hbm>> -> memref<128x128xf32, #tpu.memory_space<hbm>>
      %dma_start3A_259 = arith.constant 0 : i32
      %dma_start3A_260 = tpu.memref_slice %arg4[%add3A_151, %dma_start3A_259] : memref<65536x128xf32, #tpu.memory_space<hbm>> -> memref<128x128xf32, #tpu.memory_space<hbm>>
      tpu.enqueue_dma source(%arg6 : memref<128x128xf32, #tpu.memory_space<vmem>>) target(%dma_start3A_260 : memref<128x128xf32, #tpu.memory_space<hbm>>) target_semaphore(%run_scoped3A : memref<!tpu.dma_semaphore, #tpu.memory_space<semaphore_mem>>)
      %dma_wait3A_261 = arith.constant 0 : i32
      %dma_wait3A_262 = tpu.memref_slice %arg4[%add3A_151, %dma_wait3A_261] : memref<65536x128xf32, #tpu.memory_space<hbm>> -> memref<128x128xf32, #tpu.memory_space<hbm>>
      %dma_wait3A_263 = arith.constant 0 : i32
      %dma_wait3A_264 = tpu.memref_slice %arg4[%add3A_151, %dma_wait3A_263] : memref<65536x128xf32, #tpu.memory_space<hbm>> -> memref<128x128xf32, #tpu.memory_space<hbm>>
      tpu.wait_dma2 semaphore(%run_scoped3A : memref<!tpu.dma_semaphore, #tpu.memory_space<semaphore_mem>>) src(%arg6 : memref<128x128xf32, #tpu.memory_space<vmem>>) dst(%dma_wait3A_264 : memref<128x128xf32, #tpu.memory_space<hbm>>)
      tpu.yield
    }) : () -> ()
    %dma_start3A_152 = arith.constant 10 : i32
    %dma_start3A_153 = arith.constant 0 : i32
    %dma_start3A_154 = tpu.memref_slice %arg5[%dma_start3A_152, %dma_start3A_153] : memref<16x128xi32, #tpu.memory_space<vmem>> -> memref<1x128xi32, #tpu.memory_space<vmem>>
    %dma_start3A_155 = tpu.memref_squeeze %dma_start3A_154 : memref<1x128xi32, #tpu.memory_space<vmem>> -> memref<128xi32, #tpu.memory_space<vmem>>
    %dma_start3A_156 = arith.constant 0 : i32
    %dma_start3A_157 = arith.constant 0 : i32
    %dma_start3A_158 = tpu.memref_slice %arg2[%dma_start3A_156, %dma_start3A_157] : memref<4096x128xf32, #tpu.memory_space<hbm>> -> memref<4096x128xf32, #tpu.memory_space<hbm>>
    tpu.enqueue_indirect_dma source(%dma_start3A_158 : memref<4096x128xf32, #tpu.memory_space<hbm>>) target(%arg6 : memref<128x128xf32, #tpu.memory_space<vmem>>) offsets(%dma_start3A_155 : memref<128xi32, #tpu.memory_space<vmem>>) semaphore(%arg8 : memref<!tpu.dma_semaphore, #tpu.memory_space<semaphore_mem>>)
    %dma_wait3A_159 = arith.constant 9 : i32
    %dma_wait3A_160 = arith.constant 0 : i32
    %dma_wait3A_161 = tpu.memref_slice %arg5[%dma_wait3A_159, %dma_wait3A_160] : memref<16x128xi32, #tpu.memory_space<vmem>> -> memref<1x128xi32, #tpu.memory_space<vmem>>
    %dma_wait3A_162 = tpu.memref_squeeze %dma_wait3A_161 : memref<1x128xi32, #tpu.memory_space<vmem>> -> memref<128xi32, #tpu.memory_space<vmem>>
    %dma_wait3A_163 = arith.constant 0 : i32
    %dma_wait3A_164 = arith.constant 0 : i32
    %dma_wait3A_165 = tpu.memref_slice %arg2[%dma_wait3A_163, %dma_wait3A_164] : memref<4096x128xf32, #tpu.memory_space<hbm>> -> memref<4096x128xf32, #tpu.memory_space<hbm>>
    tpu.wait_indirect_dma semaphore(%arg9 : memref<!tpu.dma_semaphore, #tpu.memory_space<semaphore_mem>>) src(%dma_wait3A_165 : memref<4096x128xf32, #tpu.memory_space<hbm>>) dst(%arg7 : memref<128x128xf32, #tpu.memory_space<vmem>>)
    %add3A_166 = arith.constant 1152 : i32
    %add3A_167 = arith.addi %mul3A_2, %add3A_166 : i32
    "tpu.region"() ({
      %run_scoped3A = tpu.sem_alloc : memref<!tpu.dma_semaphore, #tpu.memory_space<semaphore_mem>>
      %dma_start3A_257 = arith.constant 0 : i32
      %dma_start3A_258 = tpu.memref_slice %arg4[%add3A_167, %dma_start3A_257] : memref<65536x128xf32, #tpu.memory_space<hbm>> -> memref<128x128xf32, #tpu.memory_space<hbm>>
      %dma_start3A_259 = arith.constant 0 : i32
      %dma_start3A_260 = tpu.memref_slice %arg4[%add3A_167, %dma_start3A_259] : memref<65536x128xf32, #tpu.memory_space<hbm>> -> memref<128x128xf32, #tpu.memory_space<hbm>>
      tpu.enqueue_dma source(%arg7 : memref<128x128xf32, #tpu.memory_space<vmem>>) target(%dma_start3A_260 : memref<128x128xf32, #tpu.memory_space<hbm>>) target_semaphore(%run_scoped3A : memref<!tpu.dma_semaphore, #tpu.memory_space<semaphore_mem>>)
      %dma_wait3A_261 = arith.constant 0 : i32
      %dma_wait3A_262 = tpu.memref_slice %arg4[%add3A_167, %dma_wait3A_261] : memref<65536x128xf32, #tpu.memory_space<hbm>> -> memref<128x128xf32, #tpu.memory_space<hbm>>
      %dma_wait3A_263 = arith.constant 0 : i32
      %dma_wait3A_264 = tpu.memref_slice %arg4[%add3A_167, %dma_wait3A_263] : memref<65536x128xf32, #tpu.memory_space<hbm>> -> memref<128x128xf32, #tpu.memory_space<hbm>>
      tpu.wait_dma2 semaphore(%run_scoped3A : memref<!tpu.dma_semaphore, #tpu.memory_space<semaphore_mem>>) src(%arg7 : memref<128x128xf32, #tpu.memory_space<vmem>>) dst(%dma_wait3A_264 : memref<128x128xf32, #tpu.memory_space<hbm>>)
      tpu.yield
    }) : () -> ()
    %dma_start3A_168 = arith.constant 11 : i32
    %dma_start3A_169 = arith.constant 0 : i32
    %dma_start3A_170 = tpu.memref_slice %arg5[%dma_start3A_168, %dma_start3A_169] : memref<16x128xi32, #tpu.memory_space<vmem>> -> memref<1x128xi32, #tpu.memory_space<vmem>>
    %dma_start3A_171 = tpu.memref_squeeze %dma_start3A_170 : memref<1x128xi32, #tpu.memory_space<vmem>> -> memref<128xi32, #tpu.memory_space<vmem>>
    %dma_start3A_172 = arith.constant 0 : i32
    %dma_start3A_173 = arith.constant 0 : i32
    %dma_start3A_174 = tpu.memref_slice %arg2[%dma_start3A_172, %dma_start3A_173] : memref<4096x128xf32, #tpu.memory_space<hbm>> -> memref<4096x128xf32, #tpu.memory_space<hbm>>
    tpu.enqueue_indirect_dma source(%dma_start3A_174 : memref<4096x128xf32, #tpu.memory_space<hbm>>) target(%arg7 : memref<128x128xf32, #tpu.memory_space<vmem>>) offsets(%dma_start3A_171 : memref<128xi32, #tpu.memory_space<vmem>>) semaphore(%arg9 : memref<!tpu.dma_semaphore, #tpu.memory_space<semaphore_mem>>)
    %dma_wait3A_175 = arith.constant 10 : i32
    %dma_wait3A_176 = arith.constant 0 : i32
    %dma_wait3A_177 = tpu.memref_slice %arg5[%dma_wait3A_175, %dma_wait3A_176] : memref<16x128xi32, #tpu.memory_space<vmem>> -> memref<1x128xi32, #tpu.memory_space<vmem>>
    %dma_wait3A_178 = tpu.memref_squeeze %dma_wait3A_177 : memref<1x128xi32, #tpu.memory_space<vmem>> -> memref<128xi32, #tpu.memory_space<vmem>>
    %dma_wait3A_179 = arith.constant 0 : i32
    %dma_wait3A_180 = arith.constant 0 : i32
    %dma_wait3A_181 = tpu.memref_slice %arg2[%dma_wait3A_179, %dma_wait3A_180] : memref<4096x128xf32, #tpu.memory_space<hbm>> -> memref<4096x128xf32, #tpu.memory_space<hbm>>
    tpu.wait_indirect_dma semaphore(%arg8 : memref<!tpu.dma_semaphore, #tpu.memory_space<semaphore_mem>>) src(%dma_wait3A_181 : memref<4096x128xf32, #tpu.memory_space<hbm>>) dst(%arg6 : memref<128x128xf32, #tpu.memory_space<vmem>>)
    %add3A_182 = arith.constant 1280 : i32
    %add3A_183 = arith.addi %mul3A_2, %add3A_182 : i32
    "tpu.region"() ({
      %run_scoped3A = tpu.sem_alloc : memref<!tpu.dma_semaphore, #tpu.memory_space<semaphore_mem>>
      %dma_start3A_257 = arith.constant 0 : i32
      %dma_start3A_258 = tpu.memref_slice %arg4[%add3A_183, %dma_start3A_257] : memref<65536x128xf32, #tpu.memory_space<hbm>> -> memref<128x128xf32, #tpu.memory_space<hbm>>
      %dma_start3A_259 = arith.constant 0 : i32
      %dma_start3A_260 = tpu.memref_slice %arg4[%add3A_183, %dma_start3A_259] : memref<65536x128xf32, #tpu.memory_space<hbm>> -> memref<128x128xf32, #tpu.memory_space<hbm>>
      tpu.enqueue_dma source(%arg6 : memref<128x128xf32, #tpu.memory_space<vmem>>) target(%dma_start3A_260 : memref<128x128xf32, #tpu.memory_space<hbm>>) target_semaphore(%run_scoped3A : memref<!tpu.dma_semaphore, #tpu.memory_space<semaphore_mem>>)
      %dma_wait3A_261 = arith.constant 0 : i32
      %dma_wait3A_262 = tpu.memref_slice %arg4[%add3A_183, %dma_wait3A_261] : memref<65536x128xf32, #tpu.memory_space<hbm>> -> memref<128x128xf32, #tpu.memory_space<hbm>>
      %dma_wait3A_263 = arith.constant 0 : i32
      %dma_wait3A_264 = tpu.memref_slice %arg4[%add3A_183, %dma_wait3A_263] : memref<65536x128xf32, #tpu.memory_space<hbm>> -> memref<128x128xf32, #tpu.memory_space<hbm>>
      tpu.wait_dma2 semaphore(%run_scoped3A : memref<!tpu.dma_semaphore, #tpu.memory_space<semaphore_mem>>) src(%arg6 : memref<128x128xf32, #tpu.memory_space<vmem>>) dst(%dma_wait3A_264 : memref<128x128xf32, #tpu.memory_space<hbm>>)
      tpu.yield
    }) : () -> ()
    %dma_start3A_184 = arith.constant 12 : i32
    %dma_start3A_185 = arith.constant 0 : i32
    %dma_start3A_186 = tpu.memref_slice %arg5[%dma_start3A_184, %dma_start3A_185] : memref<16x128xi32, #tpu.memory_space<vmem>> -> memref<1x128xi32, #tpu.memory_space<vmem>>
    %dma_start3A_187 = tpu.memref_squeeze %dma_start3A_186 : memref<1x128xi32, #tpu.memory_space<vmem>> -> memref<128xi32, #tpu.memory_space<vmem>>
    %dma_start3A_188 = arith.constant 0 : i32
    %dma_start3A_189 = arith.constant 0 : i32
    %dma_start3A_190 = tpu.memref_slice %arg2[%dma_start3A_188, %dma_start3A_189] : memref<4096x128xf32, #tpu.memory_space<hbm>> -> memref<4096x128xf32, #tpu.memory_space<hbm>>
    tpu.enqueue_indirect_dma source(%dma_start3A_190 : memref<4096x128xf32, #tpu.memory_space<hbm>>) target(%arg6 : memref<128x128xf32, #tpu.memory_space<vmem>>) offsets(%dma_start3A_187 : memref<128xi32, #tpu.memory_space<vmem>>) semaphore(%arg8 : memref<!tpu.dma_semaphore, #tpu.memory_space<semaphore_mem>>)
    %dma_wait3A_191 = arith.constant 11 : i32
    %dma_wait3A_192 = arith.constant 0 : i32
    %dma_wait3A_193 = tpu.memref_slice %arg5[%dma_wait3A_191, %dma_wait3A_192] : memref<16x128xi32, #tpu.memory_space<vmem>> -> memref<1x128xi32, #tpu.memory_space<vmem>>
    %dma_wait3A_194 = tpu.memref_squeeze %dma_wait3A_193 : memref<1x128xi32, #tpu.memory_space<vmem>> -> memref<128xi32, #tpu.memory_space<vmem>>
    %dma_wait3A_195 = arith.constant 0 : i32
    %dma_wait3A_196 = arith.constant 0 : i32
    %dma_wait3A_197 = tpu.memref_slice %arg2[%dma_wait3A_195, %dma_wait3A_196] : memref<4096x128xf32, #tpu.memory_space<hbm>> -> memref<4096x128xf32, #tpu.memory_space<hbm>>
    tpu.wait_indirect_dma semaphore(%arg9 : memref<!tpu.dma_semaphore, #tpu.memory_space<semaphore_mem>>) src(%dma_wait3A_197 : memref<4096x128xf32, #tpu.memory_space<hbm>>) dst(%arg7 : memref<128x128xf32, #tpu.memory_space<vmem>>)
    %add3A_198 = arith.constant 1408 : i32
    %add3A_199 = arith.addi %mul3A_2, %add3A_198 : i32
    "tpu.region"() ({
      %run_scoped3A = tpu.sem_alloc : memref<!tpu.dma_semaphore, #tpu.memory_space<semaphore_mem>>
      %dma_start3A_257 = arith.constant 0 : i32
      %dma_start3A_258 = tpu.memref_slice %arg4[%add3A_199, %dma_start3A_257] : memref<65536x128xf32, #tpu.memory_space<hbm>> -> memref<128x128xf32, #tpu.memory_space<hbm>>
      %dma_start3A_259 = arith.constant 0 : i32
      %dma_start3A_260 = tpu.memref_slice %arg4[%add3A_199, %dma_start3A_259] : memref<65536x128xf32, #tpu.memory_space<hbm>> -> memref<128x128xf32, #tpu.memory_space<hbm>>
      tpu.enqueue_dma source(%arg7 : memref<128x128xf32, #tpu.memory_space<vmem>>) target(%dma_start3A_260 : memref<128x128xf32, #tpu.memory_space<hbm>>) target_semaphore(%run_scoped3A : memref<!tpu.dma_semaphore, #tpu.memory_space<semaphore_mem>>)
      %dma_wait3A_261 = arith.constant 0 : i32
      %dma_wait3A_262 = tpu.memref_slice %arg4[%add3A_199, %dma_wait3A_261] : memref<65536x128xf32, #tpu.memory_space<hbm>> -> memref<128x128xf32, #tpu.memory_space<hbm>>
      %dma_wait3A_263 = arith.constant 0 : i32
      %dma_wait3A_264 = tpu.memref_slice %arg4[%add3A_199, %dma_wait3A_263] : memref<65536x128xf32, #tpu.memory_space<hbm>> -> memref<128x128xf32, #tpu.memory_space<hbm>>
      tpu.wait_dma2 semaphore(%run_scoped3A : memref<!tpu.dma_semaphore, #tpu.memory_space<semaphore_mem>>) src(%arg7 : memref<128x128xf32, #tpu.memory_space<vmem>>) dst(%dma_wait3A_264 : memref<128x128xf32, #tpu.memory_space<hbm>>)
      tpu.yield
    }) : () -> ()
    %dma_start3A_200 = arith.constant 13 : i32
    %dma_start3A_201 = arith.constant 0 : i32
    %dma_start3A_202 = tpu.memref_slice %arg5[%dma_start3A_200, %dma_start3A_201] : memref<16x128xi32, #tpu.memory_space<vmem>> -> memref<1x128xi32, #tpu.memory_space<vmem>>
    %dma_start3A_203 = tpu.memref_squeeze %dma_start3A_202 : memref<1x128xi32, #tpu.memory_space<vmem>> -> memref<128xi32, #tpu.memory_space<vmem>>
    %dma_start3A_204 = arith.constant 0 : i32
    %dma_start3A_205 = arith.constant 0 : i32
    %dma_start3A_206 = tpu.memref_slice %arg2[%dma_start3A_204, %dma_start3A_205] : memref<4096x128xf32, #tpu.memory_space<hbm>> -> memref<4096x128xf32, #tpu.memory_space<hbm>>
    tpu.enqueue_indirect_dma source(%dma_start3A_206 : memref<4096x128xf32, #tpu.memory_space<hbm>>) target(%arg7 : memref<128x128xf32, #tpu.memory_space<vmem>>) offsets(%dma_start3A_203 : memref<128xi32, #tpu.memory_space<vmem>>) semaphore(%arg9 : memref<!tpu.dma_semaphore, #tpu.memory_space<semaphore_mem>>)
    %dma_wait3A_207 = arith.constant 12 : i32
    %dma_wait3A_208 = arith.constant 0 : i32
    %dma_wait3A_209 = tpu.memref_slice %arg5[%dma_wait3A_207, %dma_wait3A_208] : memref<16x128xi32, #tpu.memory_space<vmem>> -> memref<1x128xi32, #tpu.memory_space<vmem>>
    %dma_wait3A_210 = tpu.memref_squeeze %dma_wait3A_209 : memref<1x128xi32, #tpu.memory_space<vmem>> -> memref<128xi32, #tpu.memory_space<vmem>>
    %dma_wait3A_211 = arith.constant 0 : i32
    %dma_wait3A_212 = arith.constant 0 : i32
    %dma_wait3A_213 = tpu.memref_slice %arg2[%dma_wait3A_211, %dma_wait3A_212] : memref<4096x128xf32, #tpu.memory_space<hbm>> -> memref<4096x128xf32, #tpu.memory_space<hbm>>
    tpu.wait_indirect_dma semaphore(%arg8 : memref<!tpu.dma_semaphore, #tpu.memory_space<semaphore_mem>>) src(%dma_wait3A_213 : memref<4096x128xf32, #tpu.memory_space<hbm>>) dst(%arg6 : memref<128x128xf32, #tpu.memory_space<vmem>>)
    %add3A_214 = arith.constant 1536 : i32
    %add3A_215 = arith.addi %mul3A_2, %add3A_214 : i32
    "tpu.region"() ({
      %run_scoped3A = tpu.sem_alloc : memref<!tpu.dma_semaphore, #tpu.memory_space<semaphore_mem>>
      %dma_start3A_257 = arith.constant 0 : i32
      %dma_start3A_258 = tpu.memref_slice %arg4[%add3A_215, %dma_start3A_257] : memref<65536x128xf32, #tpu.memory_space<hbm>> -> memref<128x128xf32, #tpu.memory_space<hbm>>
      %dma_start3A_259 = arith.constant 0 : i32
      %dma_start3A_260 = tpu.memref_slice %arg4[%add3A_215, %dma_start3A_259] : memref<65536x128xf32, #tpu.memory_space<hbm>> -> memref<128x128xf32, #tpu.memory_space<hbm>>
      tpu.enqueue_dma source(%arg6 : memref<128x128xf32, #tpu.memory_space<vmem>>) target(%dma_start3A_260 : memref<128x128xf32, #tpu.memory_space<hbm>>) target_semaphore(%run_scoped3A : memref<!tpu.dma_semaphore, #tpu.memory_space<semaphore_mem>>)
      %dma_wait3A_261 = arith.constant 0 : i32
      %dma_wait3A_262 = tpu.memref_slice %arg4[%add3A_215, %dma_wait3A_261] : memref<65536x128xf32, #tpu.memory_space<hbm>> -> memref<128x128xf32, #tpu.memory_space<hbm>>
      %dma_wait3A_263 = arith.constant 0 : i32
      %dma_wait3A_264 = tpu.memref_slice %arg4[%add3A_215, %dma_wait3A_263] : memref<65536x128xf32, #tpu.memory_space<hbm>> -> memref<128x128xf32, #tpu.memory_space<hbm>>
      tpu.wait_dma2 semaphore(%run_scoped3A : memref<!tpu.dma_semaphore, #tpu.memory_space<semaphore_mem>>) src(%arg6 : memref<128x128xf32, #tpu.memory_space<vmem>>) dst(%dma_wait3A_264 : memref<128x128xf32, #tpu.memory_space<hbm>>)
      tpu.yield
    }) : () -> ()
    %dma_start3A_216 = arith.constant 14 : i32
    %dma_start3A_217 = arith.constant 0 : i32
    %dma_start3A_218 = tpu.memref_slice %arg5[%dma_start3A_216, %dma_start3A_217] : memref<16x128xi32, #tpu.memory_space<vmem>> -> memref<1x128xi32, #tpu.memory_space<vmem>>
    %dma_start3A_219 = tpu.memref_squeeze %dma_start3A_218 : memref<1x128xi32, #tpu.memory_space<vmem>> -> memref<128xi32, #tpu.memory_space<vmem>>
    %dma_start3A_220 = arith.constant 0 : i32
    %dma_start3A_221 = arith.constant 0 : i32
    %dma_start3A_222 = tpu.memref_slice %arg2[%dma_start3A_220, %dma_start3A_221] : memref<4096x128xf32, #tpu.memory_space<hbm>> -> memref<4096x128xf32, #tpu.memory_space<hbm>>
    tpu.enqueue_indirect_dma source(%dma_start3A_222 : memref<4096x128xf32, #tpu.memory_space<hbm>>) target(%arg6 : memref<128x128xf32, #tpu.memory_space<vmem>>) offsets(%dma_start3A_219 : memref<128xi32, #tpu.memory_space<vmem>>) semaphore(%arg8 : memref<!tpu.dma_semaphore, #tpu.memory_space<semaphore_mem>>)
    %dma_wait3A_223 = arith.constant 13 : i32
    %dma_wait3A_224 = arith.constant 0 : i32
    %dma_wait3A_225 = tpu.memref_slice %arg5[%dma_wait3A_223, %dma_wait3A_224] : memref<16x128xi32, #tpu.memory_space<vmem>> -> memref<1x128xi32, #tpu.memory_space<vmem>>
    %dma_wait3A_226 = tpu.memref_squeeze %dma_wait3A_225 : memref<1x128xi32, #tpu.memory_space<vmem>> -> memref<128xi32, #tpu.memory_space<vmem>>
    %dma_wait3A_227 = arith.constant 0 : i32
    %dma_wait3A_228 = arith.constant 0 : i32
    %dma_wait3A_229 = tpu.memref_slice %arg2[%dma_wait3A_227, %dma_wait3A_228] : memref<4096x128xf32, #tpu.memory_space<hbm>> -> memref<4096x128xf32, #tpu.memory_space<hbm>>
    tpu.wait_indirect_dma semaphore(%arg9 : memref<!tpu.dma_semaphore, #tpu.memory_space<semaphore_mem>>) src(%dma_wait3A_229 : memref<4096x128xf32, #tpu.memory_space<hbm>>) dst(%arg7 : memref<128x128xf32, #tpu.memory_space<vmem>>)
    %add3A_230 = arith.constant 1664 : i32
    %add3A_231 = arith.addi %mul3A_2, %add3A_230 : i32
    "tpu.region"() ({
      %run_scoped3A = tpu.sem_alloc : memref<!tpu.dma_semaphore, #tpu.memory_space<semaphore_mem>>
      %dma_start3A_257 = arith.constant 0 : i32
      %dma_start3A_258 = tpu.memref_slice %arg4[%add3A_231, %dma_start3A_257] : memref<65536x128xf32, #tpu.memory_space<hbm>> -> memref<128x128xf32, #tpu.memory_space<hbm>>
      %dma_start3A_259 = arith.constant 0 : i32
      %dma_start3A_260 = tpu.memref_slice %arg4[%add3A_231, %dma_start3A_259] : memref<65536x128xf32, #tpu.memory_space<hbm>> -> memref<128x128xf32, #tpu.memory_space<hbm>>
      tpu.enqueue_dma source(%arg7 : memref<128x128xf32, #tpu.memory_space<vmem>>) target(%dma_start3A_260 : memref<128x128xf32, #tpu.memory_space<hbm>>) target_semaphore(%run_scoped3A : memref<!tpu.dma_semaphore, #tpu.memory_space<semaphore_mem>>)
      %dma_wait3A_261 = arith.constant 0 : i32
      %dma_wait3A_262 = tpu.memref_slice %arg4[%add3A_231, %dma_wait3A_261] : memref<65536x128xf32, #tpu.memory_space<hbm>> -> memref<128x128xf32, #tpu.memory_space<hbm>>
      %dma_wait3A_263 = arith.constant 0 : i32
      %dma_wait3A_264 = tpu.memref_slice %arg4[%add3A_231, %dma_wait3A_263] : memref<65536x128xf32, #tpu.memory_space<hbm>> -> memref<128x128xf32, #tpu.memory_space<hbm>>
      tpu.wait_dma2 semaphore(%run_scoped3A : memref<!tpu.dma_semaphore, #tpu.memory_space<semaphore_mem>>) src(%arg7 : memref<128x128xf32, #tpu.memory_space<vmem>>) dst(%dma_wait3A_264 : memref<128x128xf32, #tpu.memory_space<hbm>>)
      tpu.yield
    }) : () -> ()
    %dma_start3A_232 = arith.constant 15 : i32
    %dma_start3A_233 = arith.constant 0 : i32
    %dma_start3A_234 = tpu.memref_slice %arg5[%dma_start3A_232, %dma_start3A_233] : memref<16x128xi32, #tpu.memory_space<vmem>> -> memref<1x128xi32, #tpu.memory_space<vmem>>
    %dma_start3A_235 = tpu.memref_squeeze %dma_start3A_234 : memref<1x128xi32, #tpu.memory_space<vmem>> -> memref<128xi32, #tpu.memory_space<vmem>>
    %dma_start3A_236 = arith.constant 0 : i32
    %dma_start3A_237 = arith.constant 0 : i32
    %dma_start3A_238 = tpu.memref_slice %arg2[%dma_start3A_236, %dma_start3A_237] : memref<4096x128xf32, #tpu.memory_space<hbm>> -> memref<4096x128xf32, #tpu.memory_space<hbm>>
    tpu.enqueue_indirect_dma source(%dma_start3A_238 : memref<4096x128xf32, #tpu.memory_space<hbm>>) target(%arg7 : memref<128x128xf32, #tpu.memory_space<vmem>>) offsets(%dma_start3A_235 : memref<128xi32, #tpu.memory_space<vmem>>) semaphore(%arg9 : memref<!tpu.dma_semaphore, #tpu.memory_space<semaphore_mem>>)
    %dma_wait3A_239 = arith.constant 14 : i32
    %dma_wait3A_240 = arith.constant 0 : i32
    %dma_wait3A_241 = tpu.memref_slice %arg5[%dma_wait3A_239, %dma_wait3A_240] : memref<16x128xi32, #tpu.memory_space<vmem>> -> memref<1x128xi32, #tpu.memory_space<vmem>>
    %dma_wait3A_242 = tpu.memref_squeeze %dma_wait3A_241 : memref<1x128xi32, #tpu.memory_space<vmem>> -> memref<128xi32, #tpu.memory_space<vmem>>
    %dma_wait3A_243 = arith.constant 0 : i32
    %dma_wait3A_244 = arith.constant 0 : i32
    %dma_wait3A_245 = tpu.memref_slice %arg2[%dma_wait3A_243, %dma_wait3A_244] : memref<4096x128xf32, #tpu.memory_space<hbm>> -> memref<4096x128xf32, #tpu.memory_space<hbm>>
    tpu.wait_indirect_dma semaphore(%arg8 : memref<!tpu.dma_semaphore, #tpu.memory_space<semaphore_mem>>) src(%dma_wait3A_245 : memref<4096x128xf32, #tpu.memory_space<hbm>>) dst(%arg6 : memref<128x128xf32, #tpu.memory_space<vmem>>)
    %add3A_246 = arith.constant 1792 : i32
    %add3A_247 = arith.addi %mul3A_2, %add3A_246 : i32
    "tpu.region"() ({
      %run_scoped3A = tpu.sem_alloc : memref<!tpu.dma_semaphore, #tpu.memory_space<semaphore_mem>>
      %dma_start3A_257 = arith.constant 0 : i32
      %dma_start3A_258 = tpu.memref_slice %arg4[%add3A_247, %dma_start3A_257] : memref<65536x128xf32, #tpu.memory_space<hbm>> -> memref<128x128xf32, #tpu.memory_space<hbm>>
      %dma_start3A_259 = arith.constant 0 : i32
      %dma_start3A_260 = tpu.memref_slice %arg4[%add3A_247, %dma_start3A_259] : memref<65536x128xf32, #tpu.memory_space<hbm>> -> memref<128x128xf32, #tpu.memory_space<hbm>>
      tpu.enqueue_dma source(%arg6 : memref<128x128xf32, #tpu.memory_space<vmem>>) target(%dma_start3A_260 : memref<128x128xf32, #tpu.memory_space<hbm>>) target_semaphore(%run_scoped3A : memref<!tpu.dma_semaphore, #tpu.memory_space<semaphore_mem>>)
      %dma_wait3A_261 = arith.constant 0 : i32
      %dma_wait3A_262 = tpu.memref_slice %arg4[%add3A_247, %dma_wait3A_261] : memref<65536x128xf32, #tpu.memory_space<hbm>> -> memref<128x128xf32, #tpu.memory_space<hbm>>
      %dma_wait3A_263 = arith.constant 0 : i32
      %dma_wait3A_264 = tpu.memref_slice %arg4[%add3A_247, %dma_wait3A_263] : memref<65536x128xf32, #tpu.memory_space<hbm>> -> memref<128x128xf32, #tpu.memory_space<hbm>>
      tpu.wait_dma2 semaphore(%run_scoped3A : memref<!tpu.dma_semaphore, #tpu.memory_space<semaphore_mem>>) src(%arg6 : memref<128x128xf32, #tpu.memory_space<vmem>>) dst(%dma_wait3A_264 : memref<128x128xf32, #tpu.memory_space<hbm>>)
      tpu.yield
    }) : () -> ()
    %dma_wait3A_248 = arith.constant 15 : i32
    %dma_wait3A_249 = arith.constant 0 : i32
    %dma_wait3A_250 = tpu.memref_slice %arg5[%dma_wait3A_248, %dma_wait3A_249] : memref<16x128xi32, #tpu.memory_space<vmem>> -> memref<1x128xi32, #tpu.memory_space<vmem>>
    %dma_wait3A_251 = tpu.memref_squeeze %dma_wait3A_250 : memref<1x128xi32, #tpu.memory_space<vmem>> -> memref<128xi32, #tpu.memory_space<vmem>>
    %dma_wait3A_252 = arith.constant 0 : i32
    %dma_wait3A_253 = arith.constant 0 : i32
    %dma_wait3A_254 = tpu.memref_slice %arg2[%dma_wait3A_252, %dma_wait3A_253] : memref<4096x128xf32, #tpu.memory_space<hbm>> -> memref<4096x128xf32, #tpu.memory_space<hbm>>
    tpu.wait_indirect_dma semaphore(%arg9 : memref<!tpu.dma_semaphore, #tpu.memory_space<semaphore_mem>>) src(%dma_wait3A_254 : memref<4096x128xf32, #tpu.memory_space<hbm>>) dst(%arg7 : memref<128x128xf32, #tpu.memory_space<vmem>>)
    %add3A_255 = arith.constant 1920 : i32
    %add3A_256 = arith.addi %mul3A_2, %add3A_255 : i32
    "tpu.region"() ({
      %run_scoped3A = tpu.sem_alloc : memref<!tpu.dma_semaphore, #tpu.memory_space<semaphore_mem>>
      %dma_start3A_257 = arith.constant 0 : i32
      %dma_start3A_258 = tpu.memref_slice %arg4[%add3A_256, %dma_start3A_257] : memref<65536x128xf32, #tpu.memory_space<hbm>> -> memref<128x128xf32, #tpu.memory_space<hbm>>
      %dma_start3A_259 = arith.constant 0 : i32
      %dma_start3A_260 = tpu.memref_slice %arg4[%add3A_256, %dma_start3A_259] : memref<65536x128xf32, #tpu.memory_space<hbm>> -> memref<128x128xf32, #tpu.memory_space<hbm>>
      tpu.enqueue_dma source(%arg7 : memref<128x128xf32, #tpu.memory_space<vmem>>) target(%dma_start3A_260 : memref<128x128xf32, #tpu.memory_space<hbm>>) target_semaphore(%run_scoped3A : memref<!tpu.dma_semaphore, #tpu.memory_space<semaphore_mem>>)
      %dma_wait3A_261 = arith.constant 0 : i32
      %dma_wait3A_262 = tpu.memref_slice %arg4[%add3A_256, %dma_wait3A_261] : memref<65536x128xf32, #tpu.memory_space<hbm>> -> memref<128x128xf32, #tpu.memory_space<hbm>>
      %dma_wait3A_263 = arith.constant 0 : i32
      %dma_wait3A_264 = tpu.memref_slice %arg4[%add3A_256, %dma_wait3A_263] : memref<65536x128xf32, #tpu.memory_space<hbm>> -> memref<128x128xf32, #tpu.memory_space<hbm>>
      tpu.wait_dma2 semaphore(%run_scoped3A : memref<!tpu.dma_semaphore, #tpu.memory_space<semaphore_mem>>) src(%arg7 : memref<128x128xf32, #tpu.memory_space<vmem>>) dst(%dma_wait3A_264 : memref<128x128xf32, #tpu.memory_space<hbm>>)
      tpu.yield
    }) : () -> ()
    return
  }
}

module attributes {stable_mosaic.version = 14 : i64} {
  func.func @_topk_body(%arg0: i32, %arg1: i32, %arg2: memref<1x256x3xf32, #tpu.memory_space<vmem>>, %arg3: memref<1x3x1024xf32, #tpu.memory_space<vmem>>, %arg4: memref<1x256x16xi32, #tpu.memory_space<vmem>>) attributes {dimension_semantics = [#tpu.dimension_semantics<arbitrary>, #tpu.dimension_semantics<arbitrary>], iteration_bounds = array<i64: 4, 4>, scalar_prefetch = 0 : i64, scratch_operands = 0 : i64, tpu.core_type = #tpu.core_type<tc>, window_params = [{transform_indices = @transform_0, window_bounds = array<i64: 1, 256, 3>}, {transform_indices = @transform_1, window_bounds = array<i64: 1, 3, 1024>}, {transform_indices = @transform_2, window_bounds = array<i64: 1, 256, 16>}]} {
    %get3A = arith.constant 0 : index
    %get3A_0 = arith.constant 0 : index
    %get3A_1 = arith.constant 0 : index
    %get3A_2 = vector.load %arg2[%get3A, %get3A_0, %get3A_1] : memref<1x256x3xf32, #tpu.memory_space<vmem>>, vector<1x256x3xf32>
    %get3A_3 = vector.shape_cast %get3A_2 : vector<1x256x3xf32> to vector<256x3xf32>
    %get3A_4 = arith.constant 0 : index
    %get3A_5 = arith.constant 0 : index
    %get3A_6 = arith.constant 0 : index
    %get3A_7 = vector.load %arg3[%get3A_4, %get3A_5, %get3A_6] : memref<1x3x1024xf32, #tpu.memory_space<vmem>>, vector<1x3x1024xf32>
    %get3A_8 = vector.shape_cast %get3A_7 : vector<1x3x1024xf32> to vector<3x1024xf32>
    %iota3A = tpu.iota {dimensions = array<i32: 1>} : vector<256x1024xi32>
    %mul3A = arith.constant 256 : i32
    %mul3A_9 = arith.muli %arg1, %mul3A : i32
    %iota3A_10 = tpu.iota {dimensions = array<i32: 0>} : vector<256x1xi32>
    %add3A = vector.broadcast %mul3A_9 : i32 to vector<256x1xi32>
    %add3A_11 = arith.addi %add3A, %iota3A_10 : vector<256x1xi32>
    %broadcast_in_dim3A = arith.constant 0.000000e+00 : f32
    %broadcast_in_dim3A_12 = vector.broadcast %broadcast_in_dim3A : f32 to vector<256x1024xf32>
    %slice3A = vector.extract_strided_slice %get3A_3 {offsets = [0, 0], sizes = [256, 1], strides = [1, 1]} : vector<256x3xf32> to vector<256x1xf32>
    %slice3A_13 = vector.extract_strided_slice %get3A_8 {offsets = [0, 0], sizes = [1, 1024], strides = [1, 1]} : vector<3x1024xf32> to vector<1x1024xf32>
    %sub3A = vector.broadcast %slice3A : vector<256x1xf32> to vector<256x1024xf32>
    %sub3A_14 = vector.broadcast %slice3A_13 : vector<1x1024xf32> to vector<256x1024xf32>
    %sub3A_15 = arith.subf %sub3A, %sub3A_14 : vector<256x1024xf32>
    %mul3A_16 = arith.mulf %sub3A_15, %sub3A_15 : vector<256x1024xf32>
    %add3A_17 = arith.addf %broadcast_in_dim3A_12, %mul3A_16 : vector<256x1024xf32>
    %slice3A_18 = vector.extract_strided_slice %get3A_3 {offsets = [0, 1], sizes = [256, 1], strides = [1, 1]} : vector<256x3xf32> to vector<256x1xf32>
    %slice3A_19 = vector.extract_strided_slice %get3A_8 {offsets = [1, 0], sizes = [1, 1024], strides = [1, 1]} : vector<3x1024xf32> to vector<1x1024xf32>
    %sub3A_20 = vector.broadcast %slice3A_18 : vector<256x1xf32> to vector<256x1024xf32>
    %sub3A_21 = vector.broadcast %slice3A_19 : vector<1x1024xf32> to vector<256x1024xf32>
    %sub3A_22 = arith.subf %sub3A_20, %sub3A_21 : vector<256x1024xf32>
    %mul3A_23 = arith.mulf %sub3A_22, %sub3A_22 : vector<256x1024xf32>
    %add3A_24 = arith.addf %add3A_17, %mul3A_23 : vector<256x1024xf32>
    %slice3A_25 = vector.extract_strided_slice %get3A_3 {offsets = [0, 2], sizes = [256, 1], strides = [1, 1]} : vector<256x3xf32> to vector<256x1xf32>
    %slice3A_26 = vector.extract_strided_slice %get3A_8 {offsets = [2, 0], sizes = [1, 1024], strides = [1, 1]} : vector<3x1024xf32> to vector<1x1024xf32>
    %sub3A_27 = vector.broadcast %slice3A_25 : vector<256x1xf32> to vector<256x1024xf32>
    %sub3A_28 = vector.broadcast %slice3A_26 : vector<1x1024xf32> to vector<256x1024xf32>
    %sub3A_29 = arith.subf %sub3A_27, %sub3A_28 : vector<256x1024xf32>
    %mul3A_30 = arith.mulf %sub3A_29, %sub3A_29 : vector<256x1024xf32>
    %add3A_31 = arith.addf %add3A_24, %mul3A_30 : vector<256x1024xf32>
    %eq3A = vector.broadcast %add3A_11 : vector<256x1xi32> to vector<256x1024xi32>
    %eq3A_32 = arith.cmpi eq, %iota3A, %eq3A : vector<256x1024xi32>
    %jit3A = arith.constant 0x7F800000 : f32
    %broadcast_in_dim3A_33 = vector.broadcast %jit3A : f32 to vector<256x1024xf32>
    %select_n3A = arith.select %eq3A_32, %broadcast_in_dim3A_33, %add3A_31 : vector<256x1024xi1>, vector<256x1024xf32>
    %reduce_min3A = arith.constant dense<0x7F800000> : vector<256xf32>
    %reduce_min3A_34 = vector.multi_reduction <minimumf>, %select_n3A, %reduce_min3A [1] : vector<256x1024xf32> to vector<256xf32>
    %broadcast_in_dim3A_35 = vector.shape_cast %reduce_min3A_34 : vector<256xf32> to vector<256x1xf32>
    %eq3A_36 = vector.broadcast %broadcast_in_dim3A_35 : vector<256x1xf32> to vector<256x1024xf32>
    %eq3A_37 = arith.cmpf oeq, %select_n3A, %eq3A_36 : vector<256x1024xf32>
    %jit3A_38 = arith.constant 1024 : i32
    %broadcast_in_dim3A_39 = vector.broadcast %jit3A_38 : i32 to vector<256x1024xi32>
    %select_n3A_40 = arith.select %eq3A_37, %iota3A, %broadcast_in_dim3A_39 : vector<256x1024xi1>, vector<256x1024xi32>
    %reduce_min3A_41 = arith.constant dense<2147483647> : vector<256xi32>
    %reduce_min3A_42 = vector.multi_reduction <minsi>, %select_n3A_40, %reduce_min3A_41 [1] : vector<256x1024xi32> to vector<256xi32>
    %broadcast_in_dim3A_43 = vector.shape_cast %reduce_min3A_42 : vector<256xi32> to vector<256x1xi32>
    %eq3A_44 = vector.broadcast %broadcast_in_dim3A_43 : vector<256x1xi32> to vector<256x1024xi32>
    %eq3A_45 = arith.cmpi eq, %iota3A, %eq3A_44 : vector<256x1024xi32>
    %jit3A_46 = arith.constant 0x7F800000 : f32
    %broadcast_in_dim3A_47 = vector.broadcast %jit3A_46 : f32 to vector<256x1024xf32>
    %select_n3A_48 = arith.select %eq3A_45, %broadcast_in_dim3A_47, %select_n3A : vector<256x1024xi1>, vector<256x1024xf32>
    %reduce_min3A_49 = arith.constant dense<0x7F800000> : vector<256xf32>
    %reduce_min3A_50 = vector.multi_reduction <minimumf>, %select_n3A_48, %reduce_min3A_49 [1] : vector<256x1024xf32> to vector<256xf32>
    %broadcast_in_dim3A_51 = vector.shape_cast %reduce_min3A_50 : vector<256xf32> to vector<256x1xf32>
    %eq3A_52 = vector.broadcast %broadcast_in_dim3A_51 : vector<256x1xf32> to vector<256x1024xf32>
    %eq3A_53 = arith.cmpf oeq, %select_n3A_48, %eq3A_52 : vector<256x1024xf32>
    %jit3A_54 = arith.constant 1024 : i32
    %broadcast_in_dim3A_55 = vector.broadcast %jit3A_54 : i32 to vector<256x1024xi32>
    %select_n3A_56 = arith.select %eq3A_53, %iota3A, %broadcast_in_dim3A_55 : vector<256x1024xi1>, vector<256x1024xi32>
    %reduce_min3A_57 = arith.constant dense<2147483647> : vector<256xi32>
    %reduce_min3A_58 = vector.multi_reduction <minsi>, %select_n3A_56, %reduce_min3A_57 [1] : vector<256x1024xi32> to vector<256xi32>
    %broadcast_in_dim3A_59 = vector.shape_cast %reduce_min3A_58 : vector<256xi32> to vector<256x1xi32>
    %eq3A_60 = vector.broadcast %broadcast_in_dim3A_59 : vector<256x1xi32> to vector<256x1024xi32>
    %eq3A_61 = arith.cmpi eq, %iota3A, %eq3A_60 : vector<256x1024xi32>
    %jit3A_62 = arith.constant 0x7F800000 : f32
    %broadcast_in_dim3A_63 = vector.broadcast %jit3A_62 : f32 to vector<256x1024xf32>
    %select_n3A_64 = arith.select %eq3A_61, %broadcast_in_dim3A_63, %select_n3A_48 : vector<256x1024xi1>, vector<256x1024xf32>
    %reduce_min3A_65 = arith.constant dense<0x7F800000> : vector<256xf32>
    %reduce_min3A_66 = vector.multi_reduction <minimumf>, %select_n3A_64, %reduce_min3A_65 [1] : vector<256x1024xf32> to vector<256xf32>
    %broadcast_in_dim3A_67 = vector.shape_cast %reduce_min3A_66 : vector<256xf32> to vector<256x1xf32>
    %eq3A_68 = vector.broadcast %broadcast_in_dim3A_67 : vector<256x1xf32> to vector<256x1024xf32>
    %eq3A_69 = arith.cmpf oeq, %select_n3A_64, %eq3A_68 : vector<256x1024xf32>
    %jit3A_70 = arith.constant 1024 : i32
    %broadcast_in_dim3A_71 = vector.broadcast %jit3A_70 : i32 to vector<256x1024xi32>
    %select_n3A_72 = arith.select %eq3A_69, %iota3A, %broadcast_in_dim3A_71 : vector<256x1024xi1>, vector<256x1024xi32>
    %reduce_min3A_73 = arith.constant dense<2147483647> : vector<256xi32>
    %reduce_min3A_74 = vector.multi_reduction <minsi>, %select_n3A_72, %reduce_min3A_73 [1] : vector<256x1024xi32> to vector<256xi32>
    %broadcast_in_dim3A_75 = vector.shape_cast %reduce_min3A_74 : vector<256xi32> to vector<256x1xi32>
    %eq3A_76 = vector.broadcast %broadcast_in_dim3A_75 : vector<256x1xi32> to vector<256x1024xi32>
    %eq3A_77 = arith.cmpi eq, %iota3A, %eq3A_76 : vector<256x1024xi32>
    %jit3A_78 = arith.constant 0x7F800000 : f32
    %broadcast_in_dim3A_79 = vector.broadcast %jit3A_78 : f32 to vector<256x1024xf32>
    %select_n3A_80 = arith.select %eq3A_77, %broadcast_in_dim3A_79, %select_n3A_64 : vector<256x1024xi1>, vector<256x1024xf32>
    %reduce_min3A_81 = arith.constant dense<0x7F800000> : vector<256xf32>
    %reduce_min3A_82 = vector.multi_reduction <minimumf>, %select_n3A_80, %reduce_min3A_81 [1] : vector<256x1024xf32> to vector<256xf32>
    %broadcast_in_dim3A_83 = vector.shape_cast %reduce_min3A_82 : vector<256xf32> to vector<256x1xf32>
    %eq3A_84 = vector.broadcast %broadcast_in_dim3A_83 : vector<256x1xf32> to vector<256x1024xf32>
    %eq3A_85 = arith.cmpf oeq, %select_n3A_80, %eq3A_84 : vector<256x1024xf32>
    %jit3A_86 = arith.constant 1024 : i32
    %broadcast_in_dim3A_87 = vector.broadcast %jit3A_86 : i32 to vector<256x1024xi32>
    %select_n3A_88 = arith.select %eq3A_85, %iota3A, %broadcast_in_dim3A_87 : vector<256x1024xi1>, vector<256x1024xi32>
    %reduce_min3A_89 = arith.constant dense<2147483647> : vector<256xi32>
    %reduce_min3A_90 = vector.multi_reduction <minsi>, %select_n3A_88, %reduce_min3A_89 [1] : vector<256x1024xi32> to vector<256xi32>
    %broadcast_in_dim3A_91 = vector.shape_cast %reduce_min3A_90 : vector<256xi32> to vector<256x1xi32>
    %eq3A_92 = vector.broadcast %broadcast_in_dim3A_91 : vector<256x1xi32> to vector<256x1024xi32>
    %eq3A_93 = arith.cmpi eq, %iota3A, %eq3A_92 : vector<256x1024xi32>
    %jit3A_94 = arith.constant 0x7F800000 : f32
    %broadcast_in_dim3A_95 = vector.broadcast %jit3A_94 : f32 to vector<256x1024xf32>
    %select_n3A_96 = arith.select %eq3A_93, %broadcast_in_dim3A_95, %select_n3A_80 : vector<256x1024xi1>, vector<256x1024xf32>
    %reduce_min3A_97 = arith.constant dense<0x7F800000> : vector<256xf32>
    %reduce_min3A_98 = vector.multi_reduction <minimumf>, %select_n3A_96, %reduce_min3A_97 [1] : vector<256x1024xf32> to vector<256xf32>
    %broadcast_in_dim3A_99 = vector.shape_cast %reduce_min3A_98 : vector<256xf32> to vector<256x1xf32>
    %eq3A_100 = vector.broadcast %broadcast_in_dim3A_99 : vector<256x1xf32> to vector<256x1024xf32>
    %eq3A_101 = arith.cmpf oeq, %select_n3A_96, %eq3A_100 : vector<256x1024xf32>
    %jit3A_102 = arith.constant 1024 : i32
    %broadcast_in_dim3A_103 = vector.broadcast %jit3A_102 : i32 to vector<256x1024xi32>
    %select_n3A_104 = arith.select %eq3A_101, %iota3A, %broadcast_in_dim3A_103 : vector<256x1024xi1>, vector<256x1024xi32>
    %reduce_min3A_105 = arith.constant dense<2147483647> : vector<256xi32>
    %reduce_min3A_106 = vector.multi_reduction <minsi>, %select_n3A_104, %reduce_min3A_105 [1] : vector<256x1024xi32> to vector<256xi32>
    %broadcast_in_dim3A_107 = vector.shape_cast %reduce_min3A_106 : vector<256xi32> to vector<256x1xi32>
    %eq3A_108 = vector.broadcast %broadcast_in_dim3A_107 : vector<256x1xi32> to vector<256x1024xi32>
    %eq3A_109 = arith.cmpi eq, %iota3A, %eq3A_108 : vector<256x1024xi32>
    %jit3A_110 = arith.constant 0x7F800000 : f32
    %broadcast_in_dim3A_111 = vector.broadcast %jit3A_110 : f32 to vector<256x1024xf32>
    %select_n3A_112 = arith.select %eq3A_109, %broadcast_in_dim3A_111, %select_n3A_96 : vector<256x1024xi1>, vector<256x1024xf32>
    %reduce_min3A_113 = arith.constant dense<0x7F800000> : vector<256xf32>
    %reduce_min3A_114 = vector.multi_reduction <minimumf>, %select_n3A_112, %reduce_min3A_113 [1] : vector<256x1024xf32> to vector<256xf32>
    %broadcast_in_dim3A_115 = vector.shape_cast %reduce_min3A_114 : vector<256xf32> to vector<256x1xf32>
    %eq3A_116 = vector.broadcast %broadcast_in_dim3A_115 : vector<256x1xf32> to vector<256x1024xf32>
    %eq3A_117 = arith.cmpf oeq, %select_n3A_112, %eq3A_116 : vector<256x1024xf32>
    %jit3A_118 = arith.constant 1024 : i32
    %broadcast_in_dim3A_119 = vector.broadcast %jit3A_118 : i32 to vector<256x1024xi32>
    %select_n3A_120 = arith.select %eq3A_117, %iota3A, %broadcast_in_dim3A_119 : vector<256x1024xi1>, vector<256x1024xi32>
    %reduce_min3A_121 = arith.constant dense<2147483647> : vector<256xi32>
    %reduce_min3A_122 = vector.multi_reduction <minsi>, %select_n3A_120, %reduce_min3A_121 [1] : vector<256x1024xi32> to vector<256xi32>
    %broadcast_in_dim3A_123 = vector.shape_cast %reduce_min3A_122 : vector<256xi32> to vector<256x1xi32>
    %eq3A_124 = vector.broadcast %broadcast_in_dim3A_123 : vector<256x1xi32> to vector<256x1024xi32>
    %eq3A_125 = arith.cmpi eq, %iota3A, %eq3A_124 : vector<256x1024xi32>
    %jit3A_126 = arith.constant 0x7F800000 : f32
    %broadcast_in_dim3A_127 = vector.broadcast %jit3A_126 : f32 to vector<256x1024xf32>
    %select_n3A_128 = arith.select %eq3A_125, %broadcast_in_dim3A_127, %select_n3A_112 : vector<256x1024xi1>, vector<256x1024xf32>
    %reduce_min3A_129 = arith.constant dense<0x7F800000> : vector<256xf32>
    %reduce_min3A_130 = vector.multi_reduction <minimumf>, %select_n3A_128, %reduce_min3A_129 [1] : vector<256x1024xf32> to vector<256xf32>
    %broadcast_in_dim3A_131 = vector.shape_cast %reduce_min3A_130 : vector<256xf32> to vector<256x1xf32>
    %eq3A_132 = vector.broadcast %broadcast_in_dim3A_131 : vector<256x1xf32> to vector<256x1024xf32>
    %eq3A_133 = arith.cmpf oeq, %select_n3A_128, %eq3A_132 : vector<256x1024xf32>
    %jit3A_134 = arith.constant 1024 : i32
    %broadcast_in_dim3A_135 = vector.broadcast %jit3A_134 : i32 to vector<256x1024xi32>
    %select_n3A_136 = arith.select %eq3A_133, %iota3A, %broadcast_in_dim3A_135 : vector<256x1024xi1>, vector<256x1024xi32>
    %reduce_min3A_137 = arith.constant dense<2147483647> : vector<256xi32>
    %reduce_min3A_138 = vector.multi_reduction <minsi>, %select_n3A_136, %reduce_min3A_137 [1] : vector<256x1024xi32> to vector<256xi32>
    %broadcast_in_dim3A_139 = vector.shape_cast %reduce_min3A_138 : vector<256xi32> to vector<256x1xi32>
    %eq3A_140 = vector.broadcast %broadcast_in_dim3A_139 : vector<256x1xi32> to vector<256x1024xi32>
    %eq3A_141 = arith.cmpi eq, %iota3A, %eq3A_140 : vector<256x1024xi32>
    %jit3A_142 = arith.constant 0x7F800000 : f32
    %broadcast_in_dim3A_143 = vector.broadcast %jit3A_142 : f32 to vector<256x1024xf32>
    %select_n3A_144 = arith.select %eq3A_141, %broadcast_in_dim3A_143, %select_n3A_128 : vector<256x1024xi1>, vector<256x1024xf32>
    %reduce_min3A_145 = arith.constant dense<0x7F800000> : vector<256xf32>
    %reduce_min3A_146 = vector.multi_reduction <minimumf>, %select_n3A_144, %reduce_min3A_145 [1] : vector<256x1024xf32> to vector<256xf32>
    %broadcast_in_dim3A_147 = vector.shape_cast %reduce_min3A_146 : vector<256xf32> to vector<256x1xf32>
    %eq3A_148 = vector.broadcast %broadcast_in_dim3A_147 : vector<256x1xf32> to vector<256x1024xf32>
    %eq3A_149 = arith.cmpf oeq, %select_n3A_144, %eq3A_148 : vector<256x1024xf32>
    %jit3A_150 = arith.constant 1024 : i32
    %broadcast_in_dim3A_151 = vector.broadcast %jit3A_150 : i32 to vector<256x1024xi32>
    %select_n3A_152 = arith.select %eq3A_149, %iota3A, %broadcast_in_dim3A_151 : vector<256x1024xi1>, vector<256x1024xi32>
    %reduce_min3A_153 = arith.constant dense<2147483647> : vector<256xi32>
    %reduce_min3A_154 = vector.multi_reduction <minsi>, %select_n3A_152, %reduce_min3A_153 [1] : vector<256x1024xi32> to vector<256xi32>
    %broadcast_in_dim3A_155 = vector.shape_cast %reduce_min3A_154 : vector<256xi32> to vector<256x1xi32>
    %eq3A_156 = vector.broadcast %broadcast_in_dim3A_155 : vector<256x1xi32> to vector<256x1024xi32>
    %eq3A_157 = arith.cmpi eq, %iota3A, %eq3A_156 : vector<256x1024xi32>
    %jit3A_158 = arith.constant 0x7F800000 : f32
    %broadcast_in_dim3A_159 = vector.broadcast %jit3A_158 : f32 to vector<256x1024xf32>
    %select_n3A_160 = arith.select %eq3A_157, %broadcast_in_dim3A_159, %select_n3A_144 : vector<256x1024xi1>, vector<256x1024xf32>
    %reduce_min3A_161 = arith.constant dense<0x7F800000> : vector<256xf32>
    %reduce_min3A_162 = vector.multi_reduction <minimumf>, %select_n3A_160, %reduce_min3A_161 [1] : vector<256x1024xf32> to vector<256xf32>
    %broadcast_in_dim3A_163 = vector.shape_cast %reduce_min3A_162 : vector<256xf32> to vector<256x1xf32>
    %eq3A_164 = vector.broadcast %broadcast_in_dim3A_163 : vector<256x1xf32> to vector<256x1024xf32>
    %eq3A_165 = arith.cmpf oeq, %select_n3A_160, %eq3A_164 : vector<256x1024xf32>
    %jit3A_166 = arith.constant 1024 : i32
    %broadcast_in_dim3A_167 = vector.broadcast %jit3A_166 : i32 to vector<256x1024xi32>
    %select_n3A_168 = arith.select %eq3A_165, %iota3A, %broadcast_in_dim3A_167 : vector<256x1024xi1>, vector<256x1024xi32>
    %reduce_min3A_169 = arith.constant dense<2147483647> : vector<256xi32>
    %reduce_min3A_170 = vector.multi_reduction <minsi>, %select_n3A_168, %reduce_min3A_169 [1] : vector<256x1024xi32> to vector<256xi32>
    %broadcast_in_dim3A_171 = vector.shape_cast %reduce_min3A_170 : vector<256xi32> to vector<256x1xi32>
    %eq3A_172 = vector.broadcast %broadcast_in_dim3A_171 : vector<256x1xi32> to vector<256x1024xi32>
    %eq3A_173 = arith.cmpi eq, %iota3A, %eq3A_172 : vector<256x1024xi32>
    %jit3A_174 = arith.constant 0x7F800000 : f32
    %broadcast_in_dim3A_175 = vector.broadcast %jit3A_174 : f32 to vector<256x1024xf32>
    %select_n3A_176 = arith.select %eq3A_173, %broadcast_in_dim3A_175, %select_n3A_160 : vector<256x1024xi1>, vector<256x1024xf32>
    %reduce_min3A_177 = arith.constant dense<0x7F800000> : vector<256xf32>
    %reduce_min3A_178 = vector.multi_reduction <minimumf>, %select_n3A_176, %reduce_min3A_177 [1] : vector<256x1024xf32> to vector<256xf32>
    %broadcast_in_dim3A_179 = vector.shape_cast %reduce_min3A_178 : vector<256xf32> to vector<256x1xf32>
    %eq3A_180 = vector.broadcast %broadcast_in_dim3A_179 : vector<256x1xf32> to vector<256x1024xf32>
    %eq3A_181 = arith.cmpf oeq, %select_n3A_176, %eq3A_180 : vector<256x1024xf32>
    %jit3A_182 = arith.constant 1024 : i32
    %broadcast_in_dim3A_183 = vector.broadcast %jit3A_182 : i32 to vector<256x1024xi32>
    %select_n3A_184 = arith.select %eq3A_181, %iota3A, %broadcast_in_dim3A_183 : vector<256x1024xi1>, vector<256x1024xi32>
    %reduce_min3A_185 = arith.constant dense<2147483647> : vector<256xi32>
    %reduce_min3A_186 = vector.multi_reduction <minsi>, %select_n3A_184, %reduce_min3A_185 [1] : vector<256x1024xi32> to vector<256xi32>
    %broadcast_in_dim3A_187 = vector.shape_cast %reduce_min3A_186 : vector<256xi32> to vector<256x1xi32>
    %eq3A_188 = vector.broadcast %broadcast_in_dim3A_187 : vector<256x1xi32> to vector<256x1024xi32>
    %eq3A_189 = arith.cmpi eq, %iota3A, %eq3A_188 : vector<256x1024xi32>
    %jit3A_190 = arith.constant 0x7F800000 : f32
    %broadcast_in_dim3A_191 = vector.broadcast %jit3A_190 : f32 to vector<256x1024xf32>
    %select_n3A_192 = arith.select %eq3A_189, %broadcast_in_dim3A_191, %select_n3A_176 : vector<256x1024xi1>, vector<256x1024xf32>
    %reduce_min3A_193 = arith.constant dense<0x7F800000> : vector<256xf32>
    %reduce_min3A_194 = vector.multi_reduction <minimumf>, %select_n3A_192, %reduce_min3A_193 [1] : vector<256x1024xf32> to vector<256xf32>
    %broadcast_in_dim3A_195 = vector.shape_cast %reduce_min3A_194 : vector<256xf32> to vector<256x1xf32>
    %eq3A_196 = vector.broadcast %broadcast_in_dim3A_195 : vector<256x1xf32> to vector<256x1024xf32>
    %eq3A_197 = arith.cmpf oeq, %select_n3A_192, %eq3A_196 : vector<256x1024xf32>
    %jit3A_198 = arith.constant 1024 : i32
    %broadcast_in_dim3A_199 = vector.broadcast %jit3A_198 : i32 to vector<256x1024xi32>
    %select_n3A_200 = arith.select %eq3A_197, %iota3A, %broadcast_in_dim3A_199 : vector<256x1024xi1>, vector<256x1024xi32>
    %reduce_min3A_201 = arith.constant dense<2147483647> : vector<256xi32>
    %reduce_min3A_202 = vector.multi_reduction <minsi>, %select_n3A_200, %reduce_min3A_201 [1] : vector<256x1024xi32> to vector<256xi32>
    %broadcast_in_dim3A_203 = vector.shape_cast %reduce_min3A_202 : vector<256xi32> to vector<256x1xi32>
    %eq3A_204 = vector.broadcast %broadcast_in_dim3A_203 : vector<256x1xi32> to vector<256x1024xi32>
    %eq3A_205 = arith.cmpi eq, %iota3A, %eq3A_204 : vector<256x1024xi32>
    %jit3A_206 = arith.constant 0x7F800000 : f32
    %broadcast_in_dim3A_207 = vector.broadcast %jit3A_206 : f32 to vector<256x1024xf32>
    %select_n3A_208 = arith.select %eq3A_205, %broadcast_in_dim3A_207, %select_n3A_192 : vector<256x1024xi1>, vector<256x1024xf32>
    %reduce_min3A_209 = arith.constant dense<0x7F800000> : vector<256xf32>
    %reduce_min3A_210 = vector.multi_reduction <minimumf>, %select_n3A_208, %reduce_min3A_209 [1] : vector<256x1024xf32> to vector<256xf32>
    %broadcast_in_dim3A_211 = vector.shape_cast %reduce_min3A_210 : vector<256xf32> to vector<256x1xf32>
    %eq3A_212 = vector.broadcast %broadcast_in_dim3A_211 : vector<256x1xf32> to vector<256x1024xf32>
    %eq3A_213 = arith.cmpf oeq, %select_n3A_208, %eq3A_212 : vector<256x1024xf32>
    %jit3A_214 = arith.constant 1024 : i32
    %broadcast_in_dim3A_215 = vector.broadcast %jit3A_214 : i32 to vector<256x1024xi32>
    %select_n3A_216 = arith.select %eq3A_213, %iota3A, %broadcast_in_dim3A_215 : vector<256x1024xi1>, vector<256x1024xi32>
    %reduce_min3A_217 = arith.constant dense<2147483647> : vector<256xi32>
    %reduce_min3A_218 = vector.multi_reduction <minsi>, %select_n3A_216, %reduce_min3A_217 [1] : vector<256x1024xi32> to vector<256xi32>
    %broadcast_in_dim3A_219 = vector.shape_cast %reduce_min3A_218 : vector<256xi32> to vector<256x1xi32>
    %eq3A_220 = vector.broadcast %broadcast_in_dim3A_219 : vector<256x1xi32> to vector<256x1024xi32>
    %eq3A_221 = arith.cmpi eq, %iota3A, %eq3A_220 : vector<256x1024xi32>
    %jit3A_222 = arith.constant 0x7F800000 : f32
    %broadcast_in_dim3A_223 = vector.broadcast %jit3A_222 : f32 to vector<256x1024xf32>
    %select_n3A_224 = arith.select %eq3A_221, %broadcast_in_dim3A_223, %select_n3A_208 : vector<256x1024xi1>, vector<256x1024xf32>
    %reduce_min3A_225 = arith.constant dense<0x7F800000> : vector<256xf32>
    %reduce_min3A_226 = vector.multi_reduction <minimumf>, %select_n3A_224, %reduce_min3A_225 [1] : vector<256x1024xf32> to vector<256xf32>
    %broadcast_in_dim3A_227 = vector.shape_cast %reduce_min3A_226 : vector<256xf32> to vector<256x1xf32>
    %eq3A_228 = vector.broadcast %broadcast_in_dim3A_227 : vector<256x1xf32> to vector<256x1024xf32>
    %eq3A_229 = arith.cmpf oeq, %select_n3A_224, %eq3A_228 : vector<256x1024xf32>
    %jit3A_230 = arith.constant 1024 : i32
    %broadcast_in_dim3A_231 = vector.broadcast %jit3A_230 : i32 to vector<256x1024xi32>
    %select_n3A_232 = arith.select %eq3A_229, %iota3A, %broadcast_in_dim3A_231 : vector<256x1024xi1>, vector<256x1024xi32>
    %reduce_min3A_233 = arith.constant dense<2147483647> : vector<256xi32>
    %reduce_min3A_234 = vector.multi_reduction <minsi>, %select_n3A_232, %reduce_min3A_233 [1] : vector<256x1024xi32> to vector<256xi32>
    %broadcast_in_dim3A_235 = vector.shape_cast %reduce_min3A_234 : vector<256xi32> to vector<256x1xi32>
    %eq3A_236 = vector.broadcast %broadcast_in_dim3A_235 : vector<256x1xi32> to vector<256x1024xi32>
    %eq3A_237 = arith.cmpi eq, %iota3A, %eq3A_236 : vector<256x1024xi32>
    %jit3A_238 = arith.constant 0x7F800000 : f32
    %broadcast_in_dim3A_239 = vector.broadcast %jit3A_238 : f32 to vector<256x1024xf32>
    %select_n3A_240 = arith.select %eq3A_237, %broadcast_in_dim3A_239, %select_n3A_224 : vector<256x1024xi1>, vector<256x1024xf32>
    %reduce_min3A_241 = arith.constant dense<0x7F800000> : vector<256xf32>
    %reduce_min3A_242 = vector.multi_reduction <minimumf>, %select_n3A_240, %reduce_min3A_241 [1] : vector<256x1024xf32> to vector<256xf32>
    %broadcast_in_dim3A_243 = vector.shape_cast %reduce_min3A_242 : vector<256xf32> to vector<256x1xf32>
    %eq3A_244 = vector.broadcast %broadcast_in_dim3A_243 : vector<256x1xf32> to vector<256x1024xf32>
    %eq3A_245 = arith.cmpf oeq, %select_n3A_240, %eq3A_244 : vector<256x1024xf32>
    %jit3A_246 = arith.constant 1024 : i32
    %broadcast_in_dim3A_247 = vector.broadcast %jit3A_246 : i32 to vector<256x1024xi32>
    %select_n3A_248 = arith.select %eq3A_245, %iota3A, %broadcast_in_dim3A_247 : vector<256x1024xi1>, vector<256x1024xi32>
    %reduce_min3A_249 = arith.constant dense<2147483647> : vector<256xi32>
    %reduce_min3A_250 = vector.multi_reduction <minsi>, %select_n3A_248, %reduce_min3A_249 [1] : vector<256x1024xi32> to vector<256xi32>
    %broadcast_in_dim3A_251 = vector.shape_cast %reduce_min3A_250 : vector<256xi32> to vector<256x1xi32>
    %eq3A_252 = vector.broadcast %broadcast_in_dim3A_251 : vector<256x1xi32> to vector<256x1024xi32>
    %eq3A_253 = arith.cmpi eq, %iota3A, %eq3A_252 : vector<256x1024xi32>
    %jit3A_254 = arith.constant 0x7F800000 : f32
    %broadcast_in_dim3A_255 = vector.broadcast %jit3A_254 : f32 to vector<256x1024xf32>
    %select_n3A_256 = arith.select %eq3A_253, %broadcast_in_dim3A_255, %select_n3A_240 : vector<256x1024xi1>, vector<256x1024xf32>
    %reduce_min3A_257 = arith.constant dense<0x7F800000> : vector<256xf32>
    %reduce_min3A_258 = vector.multi_reduction <minimumf>, %select_n3A_256, %reduce_min3A_257 [1] : vector<256x1024xf32> to vector<256xf32>
    %broadcast_in_dim3A_259 = vector.shape_cast %reduce_min3A_258 : vector<256xf32> to vector<256x1xf32>
    %eq3A_260 = vector.broadcast %broadcast_in_dim3A_259 : vector<256x1xf32> to vector<256x1024xf32>
    %eq3A_261 = arith.cmpf oeq, %select_n3A_256, %eq3A_260 : vector<256x1024xf32>
    %jit3A_262 = arith.constant 1024 : i32
    %broadcast_in_dim3A_263 = vector.broadcast %jit3A_262 : i32 to vector<256x1024xi32>
    %select_n3A_264 = arith.select %eq3A_261, %iota3A, %broadcast_in_dim3A_263 : vector<256x1024xi1>, vector<256x1024xi32>
    %reduce_min3A_265 = arith.constant dense<2147483647> : vector<256xi32>
    %reduce_min3A_266 = vector.multi_reduction <minsi>, %select_n3A_264, %reduce_min3A_265 [1] : vector<256x1024xi32> to vector<256xi32>
    %broadcast_in_dim3A_267 = vector.shape_cast %reduce_min3A_266 : vector<256xi32> to vector<256x1xi32>
    %eq3A_268 = vector.broadcast %broadcast_in_dim3A_267 : vector<256x1xi32> to vector<256x1024xi32>
    %eq3A_269 = arith.cmpi eq, %iota3A, %eq3A_268 : vector<256x1024xi32>
    %jit3A_270 = arith.constant 0x7F800000 : f32
    %broadcast_in_dim3A_271 = vector.broadcast %jit3A_270 : f32 to vector<256x1024xf32>
    %select_n3A_272 = arith.select %eq3A_269, %broadcast_in_dim3A_271, %select_n3A_256 : vector<256x1024xi1>, vector<256x1024xf32>
    %reduce_min3A_273 = arith.constant dense<0x7F800000> : vector<256xf32>
    %reduce_min3A_274 = vector.multi_reduction <minimumf>, %select_n3A_272, %reduce_min3A_273 [1] : vector<256x1024xf32> to vector<256xf32>
    %broadcast_in_dim3A_275 = vector.shape_cast %reduce_min3A_274 : vector<256xf32> to vector<256x1xf32>
    %eq3A_276 = vector.broadcast %broadcast_in_dim3A_275 : vector<256x1xf32> to vector<256x1024xf32>
    %eq3A_277 = arith.cmpf oeq, %select_n3A_272, %eq3A_276 : vector<256x1024xf32>
    %jit3A_278 = arith.constant 1024 : i32
    %broadcast_in_dim3A_279 = vector.broadcast %jit3A_278 : i32 to vector<256x1024xi32>
    %select_n3A_280 = arith.select %eq3A_277, %iota3A, %broadcast_in_dim3A_279 : vector<256x1024xi1>, vector<256x1024xi32>
    %reduce_min3A_281 = arith.constant dense<2147483647> : vector<256xi32>
    %reduce_min3A_282 = vector.multi_reduction <minsi>, %select_n3A_280, %reduce_min3A_281 [1] : vector<256x1024xi32> to vector<256xi32>
    %broadcast_in_dim3A_283 = vector.shape_cast %reduce_min3A_282 : vector<256xi32> to vector<256x1xi32>
    %concatenate3A = tpu.concatenate %broadcast_in_dim3A_43, %broadcast_in_dim3A_59, %broadcast_in_dim3A_75, %broadcast_in_dim3A_91, %broadcast_in_dim3A_107, %broadcast_in_dim3A_123, %broadcast_in_dim3A_139, %broadcast_in_dim3A_155, %broadcast_in_dim3A_171, %broadcast_in_dim3A_187, %broadcast_in_dim3A_203, %broadcast_in_dim3A_219, %broadcast_in_dim3A_235, %broadcast_in_dim3A_251, %broadcast_in_dim3A_267, %broadcast_in_dim3A_283 in 1 : vector<256x1xi32>, vector<256x1xi32>, vector<256x1xi32>, vector<256x1xi32>, vector<256x1xi32>, vector<256x1xi32>, vector<256x1xi32>, vector<256x1xi32>, vector<256x1xi32>, vector<256x1xi32>, vector<256x1xi32>, vector<256x1xi32>, vector<256x1xi32>, vector<256x1xi32>, vector<256x1xi32>, vector<256x1xi32> -> vector<256x16xi32>
    %mul3A_284 = arith.constant 1024 : i32
    %mul3A_285 = arith.muli %arg0, %mul3A_284 : i32
    %add3A_286 = vector.broadcast %mul3A_285 : i32 to vector<256x16xi32>
    %add3A_287 = arith.addi %concatenate3A, %add3A_286 : vector<256x16xi32>
    %swap3A = arith.constant 0 : index
    %swap3A_288 = arith.constant 0 : index
    %swap3A_289 = arith.constant 0 : index
    %swap3A_290 = vector.load %arg4[%swap3A, %swap3A_288, %swap3A_289] : memref<1x256x16xi32, #tpu.memory_space<vmem>>, vector<1x256x16xi32>
    %swap3A_291 = vector.shape_cast %swap3A_290 : vector<1x256x16xi32> to vector<256x16xi32>
    %swap3A_292 = vector.shape_cast %add3A_287 : vector<256x16xi32> to vector<1x256x16xi32>
    tpu.vector_store %arg4[%swap3A, %swap3A_288, %swap3A_289], %swap3A_292 {strides = array<i32>} : memref<1x256x16xi32, #tpu.memory_space<vmem>>, vector<1x256x16xi32>,
    return
  }
  func.func @transform_0(%arg0: i32, %arg1: i32) -> (i32, i32, i32) {
    %c0_i32 = arith.constant 0 : i32
    %c0_i32_0 = arith.constant 0 : i32
    return %arg0, %arg1, %c0_i32 : i32, i32, i32
  }
  func.func @transform_1(%arg0: i32, %arg1: i32) -> (i32, i32, i32) {
    %c0_i32 = arith.constant 0 : i32
    %c0_i32_0 = arith.constant 0 : i32
    %c0_i32_1 = arith.constant 0 : i32
    return %arg0, %c0_i32, %c0_i32_0 : i32, i32, i32
  }
  func.func @transform_2(%arg0: i32, %arg1: i32) -> (i32, i32, i32) {
    %c0_i32 = arith.constant 0 : i32
    %c0_i32_0 = arith.constant 0 : i32
    return %arg0, %arg1, %c0_i32 : i32, i32, i32
  }
}

module attributes {stable_mosaic.version = 14 : i64} {
  func.func @_mlp_body(%arg0: i32, %arg1: i32, %arg2: memref<16x256x128xf32, #tpu.memory_space<vmem>>, %arg3: memref<1x256x128xf32, #tpu.memory_space<vmem>>, %arg4: memref<128x512xf32, #tpu.memory_space<vmem>>, %arg5: memref<128x512xf32, #tpu.memory_space<vmem>>, %arg6: memref<1x512xf32, #tpu.memory_space<vmem>>, %arg7: memref<512x64xf32, #tpu.memory_space<vmem>>, %arg8: memref<1x64xf32, #tpu.memory_space<vmem>>, %arg9: memref<192x384xf32, #tpu.memory_space<vmem>>, %arg10: memref<1x384xf32, #tpu.memory_space<vmem>>, %arg11: memref<384x64xf32, #tpu.memory_space<vmem>>, %arg12: memref<1x64xf32, #tpu.memory_space<vmem>>, %arg13: memref<256x512xf32, #tpu.memory_space<vmem>>, %arg14: memref<1x512xf32, #tpu.memory_space<vmem>>, %arg15: memref<512x64xf32, #tpu.memory_space<vmem>>, %arg16: memref<1x64xf32, #tpu.memory_space<vmem>>, %arg17: memref<320x64xf32, #tpu.memory_space<vmem>>, %arg18: memref<1x64xf32, #tpu.memory_space<vmem>>, %arg19: memref<384x96xf32, #tpu.memory_space<vmem>>, %arg20: memref<1x96xf32, #tpu.memory_space<vmem>>, %arg21: memref<1x96xf32, #tpu.memory_space<vmem>>, %arg22: memref<1x1xf32, #tpu.memory_space<vmem>>, %arg23: memref<1x256x384xf32, #tpu.memory_space<vmem>>) attributes {dimension_semantics = [#tpu.dimension_semantics<arbitrary>, #tpu.dimension_semantics<arbitrary>], iteration_bounds = array<i64: 4, 4>, scalar_prefetch = 0 : i64, scratch_operands = 0 : i64, tpu.core_type = #tpu.core_type<tc>, window_params = [{transform_indices = @transform_0, window_bounds = array<i64: 16, 256, 128>}, {transform_indices = @transform_1, window_bounds = array<i64: 1, 256, 128>}, {pipeline_mode = #tpu.pipeline_mode<synchronous>, transform_indices = @transform_2, window_bounds = array<i64: 128, 512>}, {pipeline_mode = #tpu.pipeline_mode<synchronous>, transform_indices = @transform_3, window_bounds = array<i64: 128, 512>}, {pipeline_mode = #tpu.pipeline_mode<synchronous>, transform_indices = @transform_4, window_bounds = array<i64: 1, 512>}, {pipeline_mode = #tpu.pipeline_mode<synchronous>, transform_indices = @transform_5, window_bounds = array<i64: 512, 64>}, {pipeline_mode = #tpu.pipeline_mode<synchronous>, transform_indices = @transform_6, window_bounds = array<i64: 1, 64>}, {pipeline_mode = #tpu.pipeline_mode<synchronous>, transform_indices = @transform_7, window_bounds = array<i64: 192, 384>}, {pipeline_mode = #tpu.pipeline_mode<synchronous>, transform_indices = @transform_8, window_bounds = array<i64: 1, 384>}, {pipeline_mode = #tpu.pipeline_mode<synchronous>, transform_indices = @transform_9, window_bounds = array<i64: 384, 64>}, {pipeline_mode = #tpu.pipeline_mode<synchronous>, transform_indices = @transform_10, window_bounds = array<i64: 1, 64>}, {pipeline_mode = #tpu.pipeline_mode<synchronous>, transform_indices = @transform_11, window_bounds = array<i64: 256, 512>}, {pipeline_mode = #tpu.pipeline_mode<synchronous>, transform_indices = @transform_12, window_bounds = array<i64: 1, 512>}, {pipeline_mode = #tpu.pipeline_mode<synchronous>, transform_indices = @transform_13, window_bounds = array<i64: 512, 64>}, {pipeline_mode = #tpu.pipeline_mode<synchronous>, transform_indices = @transform_14, window_bounds = array<i64: 1, 64>}, {pipeline_mode = #tpu.pipeline_mode<synchronous>, transform_indices = @transform_15, window_bounds = array<i64: 320, 64>}, {pipeline_mode = #tpu.pipeline_mode<synchronous>, transform_indices = @transform_16, window_bounds = array<i64: 1, 64>}, {pipeline_mode = #tpu.pipeline_mode<synchronous>, transform_indices = @transform_17, window_bounds = array<i64: 384, 96>}, {pipeline_mode = #tpu.pipeline_mode<synchronous>, transform_indices = @transform_18, window_bounds = array<i64: 1, 96>}, {pipeline_mode = #tpu.pipeline_mode<synchronous>, transform_indices = @transform_19, window_bounds = array<i64: 1, 96>}, {pipeline_mode = #tpu.pipeline_mode<synchronous>, transform_indices = @transform_20, window_bounds = array<i64: 1, 1>}, {transform_indices = @transform_21, window_bounds = array<i64: 1, 256, 384>}]} {
    %get3A = arith.constant 0 : index
    %get3A_0 = arith.constant 0 : index
    %get3A_1 = arith.constant 0 : index
    %get3A_2 = vector.load %arg3[%get3A, %get3A_0, %get3A_1] : memref<1x256x128xf32, #tpu.memory_space<vmem>>, vector<1x256x128xf32>
    %get3A_3 = vector.shape_cast %get3A_2 : vector<1x256x128xf32> to vector<256x128xf32>
    %get3A_4 = arith.constant 0 : index
    %get3A_5 = arith.constant 0 : index
    %get3A_6 = vector.load %arg4[%get3A_4, %get3A_5] : memref<128x512xf32, #tpu.memory_space<vmem>>, vector<128x512xf32>
    %dot_general3A = arith.constant dense<0.000000e+00> : vector<256x512xf32>
    %dot_general3A_7 = tpu.matmul %get3A_3, %get3A_6, %dot_general3A {dimension_numbers = #tpu.dot_dimension_numbers<[1], [0], [0], [1], [0, 0, 1, 1], [], []>, transpose_lhs_hint = false} : vector<256x128xf32>, vector<128x512xf32>, vector<256x512xf32> -> vector<256x512xf32>
    %get3A_8 = arith.constant 0 : index
    %get3A_9 = arith.constant 0 : index
    %get3A_10 = vector.load %arg6[%get3A_8, %get3A_9] : memref<1x512xf32, #tpu.memory_space<vmem>>, vector<1x512xf32>
    %add3A = vector.broadcast %get3A_10 : vector<1x512xf32> to vector<256x512xf32>
    %add3A_11 = arith.addf %dot_general3A_7, %add3A : vector<256x512xf32>
    %broadcast_in_dim3A = arith.constant 0xFF800000 : f32
    %broadcast_in_dim3A_12 = vector.broadcast %broadcast_in_dim3A : f32 to vector<256x64xf32>
    %broadcast_in_dim3A_13 = arith.constant 0.000000e+00 : f32
    %broadcast_in_dim3A_14 = vector.broadcast %broadcast_in_dim3A_13 : f32 to vector<256x64xf32>
    %broadcast_in_dim3A_15 = arith.constant 0.000000e+00 : f32
    %broadcast_in_dim3A_16 = vector.broadcast %broadcast_in_dim3A_15 : f32 to vector<256x1xf32>
    %scan3A = arith.constant 0 : i32
    %scan3A_17 = arith.constant 16 : i32
    %scan3A_18 = arith.addi %scan3A, %scan3A_17 : i32
    %scan3A_19 = arith.constant 1 : i32
    %scan3A_20:9 = scf.for %scan3A_52 = %scan3A to %scan3A_18 step %scan3A_19 iter_args(%scan3A_53 = %broadcast_in_dim3A_12, %scan3A_54 = %broadcast_in_dim3A_12, %scan3A_55 = %broadcast_in_dim3A_12, %scan3A_56 = %broadcast_in_dim3A_12, %scan3A_57 = %broadcast_in_dim3A_14, %scan3A_58 = %broadcast_in_dim3A_14, %scan3A_59 = %broadcast_in_dim3A_14, %scan3A_60 = %broadcast_in_dim3A_14, %scan3A_61 = %broadcast_in_dim3A_16) -> (vector<256x64xf32>, vector<256x64xf32>, vector<256x64xf32>, vector<256x64xf32>, vector<256x64xf32>, vector<256x64xf32>, vector<256x64xf32>, vector<256x64xf32>, vector<256x1xf32>)  : i32 {
      %get3A_62 = arith.index_cast %scan3A_52 : i32 to index
      %get3A_63 = arith.constant 0 : index
      %get3A_64 = arith.constant 0 : index
      %get3A_65 = vector.load %arg2[%get3A_62, %get3A_63, %get3A_64] : memref<16x256x128xf32, #tpu.memory_space<vmem>>, vector<1x256x128xf32>
      %get3A_66 = vector.shape_cast %get3A_65 : vector<1x256x128xf32> to vector<256x128xf32>
      %get3A_67 = arith.constant 0 : index
      %get3A_68 = arith.constant 0 : index
      %get3A_69 = vector.load %arg5[%get3A_67, %get3A_68] : memref<128x512xf32, #tpu.memory_space<vmem>>, vector<128x512xf32>
      %dot_general3A_70 = arith.constant dense<0.000000e+00> : vector<256x512xf32>
      %dot_general3A_71 = tpu.matmul %get3A_66, %get3A_69, %dot_general3A_70 {dimension_numbers = #tpu.dot_dimension_numbers<[1], [0], [0], [1], [0, 0, 1, 1], [], []>, transpose_lhs_hint = false} : vector<256x128xf32>, vector<128x512xf32>, vector<256x512xf32> -> vector<256x512xf32>
      %add3A_72 = arith.addf %dot_general3A_71, %add3A_11 : vector<256x512xf32>
      %max3A = arith.constant 0.000000e+00 : f32
      %max3A_73 = vector.broadcast %max3A : f32 to vector<256x512xf32>
      %max3A_74 = arith.maximumf %add3A_72, %max3A_73 : vector<256x512xf32>
      %get3A_75 = arith.constant 0 : index
      %get3A_76 = arith.constant 0 : index
      %get3A_77 = vector.load %arg7[%get3A_75, %get3A_76] : memref<512x64xf32, #tpu.memory_space<vmem>>, vector<512x64xf32>
      %dot_general3A_78 = arith.constant dense<0.000000e+00> : vector<256x64xf32>
      %dot_general3A_79 = tpu.matmul %max3A_74, %get3A_77, %dot_general3A_78 {dimension_numbers = #tpu.dot_dimension_numbers<[1], [0], [0], [1], [0, 0, 1, 1], [], []>, transpose_lhs_hint = false} : vector<256x512xf32>, vector<512x64xf32>, vector<256x64xf32> -> vector<256x64xf32>
      %get3A_80 = arith.constant 0 : index
      %get3A_81 = arith.constant 0 : index
      %get3A_82 = vector.load %arg8[%get3A_80, %get3A_81] : memref<1x64xf32, #tpu.memory_space<vmem>>, vector<1x64xf32>
      %add3A_83 = vector.broadcast %get3A_82 : vector<1x64xf32> to vector<256x64xf32>
      %add3A_84 = arith.addf %dot_general3A_79, %add3A_83 : vector<256x64xf32>
      %max3A_85 = arith.constant 0.000000e+00 : f32
      %max3A_86 = vector.broadcast %max3A_85 : f32 to vector<256x64xf32>
      %max3A_87 = arith.maximumf %add3A_84, %max3A_86 : vector<256x64xf32>
      %concatenate3A_88 = tpu.concatenate %get3A_3, %max3A_87 in 1 : vector<256x128xf32>, vector<256x64xf32> -> vector<256x192xf32>
      %get3A_89 = arith.constant 0 : index
      %get3A_90 = arith.constant 0 : index
      %get3A_91 = vector.load %arg9[%get3A_89, %get3A_90] : memref<192x384xf32, #tpu.memory_space<vmem>>, vector<192x384xf32>
      %dot_general3A_92 = arith.constant dense<0.000000e+00> : vector<256x384xf32>
      %dot_general3A_93 = tpu.matmul %concatenate3A_88, %get3A_91, %dot_general3A_92 {dimension_numbers = #tpu.dot_dimension_numbers<[1], [0], [0], [1], [0, 0, 1, 1], [], []>, transpose_lhs_hint = false} : vector<256x192xf32>, vector<192x384xf32>, vector<256x384xf32> -> vector<256x384xf32>
      %get3A_94 = arith.constant 0 : index
      %get3A_95 = arith.constant 0 : index
      %get3A_96 = vector.load %arg10[%get3A_94, %get3A_95] : memref<1x384xf32, #tpu.memory_space<vmem>>, vector<1x384xf32>
      %add3A_97 = vector.broadcast %get3A_96 : vector<1x384xf32> to vector<256x384xf32>
      %add3A_98 = arith.addf %dot_general3A_93, %add3A_97 : vector<256x384xf32>
      %max3A_99 = arith.constant 0.000000e+00 : f32
      %max3A_100 = vector.broadcast %max3A_99 : f32 to vector<256x384xf32>
      %max3A_101 = arith.maximumf %add3A_98, %max3A_100 : vector<256x384xf32>
      %get3A_102 = arith.constant 0 : index
      %get3A_103 = arith.constant 0 : index
      %get3A_104 = vector.load %arg11[%get3A_102, %get3A_103] : memref<384x64xf32, #tpu.memory_space<vmem>>, vector<384x64xf32>
      %dot_general3A_105 = arith.constant dense<0.000000e+00> : vector<256x64xf32>
      %dot_general3A_106 = tpu.matmul %max3A_101, %get3A_104, %dot_general3A_105 {dimension_numbers = #tpu.dot_dimension_numbers<[1], [0], [0], [1], [0, 0, 1, 1], [], []>, transpose_lhs_hint = false} : vector<256x384xf32>, vector<384x64xf32>, vector<256x64xf32> -> vector<256x64xf32>
      %get3A_107 = arith.constant 0 : index
      %get3A_108 = arith.constant 0 : index
      %get3A_109 = vector.load %arg12[%get3A_107, %get3A_108] : memref<1x64xf32, #tpu.memory_space<vmem>>, vector<1x64xf32>
      %add3A_110 = vector.broadcast %get3A_109 : vector<1x64xf32> to vector<256x64xf32>
      %add3A_111 = arith.addf %dot_general3A_106, %add3A_110 : vector<256x64xf32>
      %max3A_112 = arith.constant 0.000000e+00 : f32
      %max3A_113 = vector.broadcast %max3A_112 : f32 to vector<256x64xf32>
      %max3A_114 = arith.maximumf %add3A_111, %max3A_113 : vector<256x64xf32>
      %concatenate3A_115 = tpu.concatenate %concatenate3A_88, %max3A_114 in 1 : vector<256x192xf32>, vector<256x64xf32> -> vector<256x256xf32>
      %get3A_116 = arith.constant 0 : index
      %get3A_117 = arith.constant 0 : index
      %get3A_118 = vector.load %arg13[%get3A_116, %get3A_117] : memref<256x512xf32, #tpu.memory_space<vmem>>, vector<256x512xf32>
      %dot_general3A_119 = arith.constant dense<0.000000e+00> : vector<256x512xf32>
      %dot_general3A_120 = tpu.matmul %concatenate3A_115, %get3A_118, %dot_general3A_119 {dimension_numbers = #tpu.dot_dimension_numbers<[1], [0], [0], [1], [0, 0, 1, 1], [], []>, transpose_lhs_hint = false} : vector<256x256xf32>, vector<256x512xf32>, vector<256x512xf32> -> vector<256x512xf32>
      %get3A_121 = arith.constant 0 : index
      %get3A_122 = arith.constant 0 : index
      %get3A_123 = vector.load %arg14[%get3A_121, %get3A_122] : memref<1x512xf32, #tpu.memory_space<vmem>>, vector<1x512xf32>
      %add3A_124 = vector.broadcast %get3A_123 : vector<1x512xf32> to vector<256x512xf32>
      %add3A_125 = arith.addf %dot_general3A_120, %add3A_124 : vector<256x512xf32>
      %max3A_126 = arith.constant 0.000000e+00 : f32
      %max3A_127 = vector.broadcast %max3A_126 : f32 to vector<256x512xf32>
      %max3A_128 = arith.maximumf %add3A_125, %max3A_127 : vector<256x512xf32>
      %get3A_129 = arith.constant 0 : index
      %get3A_130 = arith.constant 0 : index
      %get3A_131 = vector.load %arg15[%get3A_129, %get3A_130] : memref<512x64xf32, #tpu.memory_space<vmem>>, vector<512x64xf32>
      %dot_general3A_132 = arith.constant dense<0.000000e+00> : vector<256x64xf32>
      %dot_general3A_133 = tpu.matmul %max3A_128, %get3A_131, %dot_general3A_132 {dimension_numbers = #tpu.dot_dimension_numbers<[1], [0], [0], [1], [0, 0, 1, 1], [], []>, transpose_lhs_hint = false} : vector<256x512xf32>, vector<512x64xf32>, vector<256x64xf32> -> vector<256x64xf32>
      %get3A_134 = arith.constant 0 : index
      %get3A_135 = arith.constant 0 : index
      %get3A_136 = vector.load %arg16[%get3A_134, %get3A_135] : memref<1x64xf32, #tpu.memory_space<vmem>>, vector<1x64xf32>
      %add3A_137 = vector.broadcast %get3A_136 : vector<1x64xf32> to vector<256x64xf32>
      %add3A_138 = arith.addf %dot_general3A_133, %add3A_137 : vector<256x64xf32>
      %max3A_139 = arith.constant 0.000000e+00 : f32
      %max3A_140 = vector.broadcast %max3A_139 : f32 to vector<256x64xf32>
      %max3A_141 = arith.maximumf %add3A_138, %max3A_140 : vector<256x64xf32>
      %concatenate3A_142 = tpu.concatenate %concatenate3A_115, %max3A_141 in 1 : vector<256x256xf32>, vector<256x64xf32> -> vector<256x320xf32>
      %get3A_143 = arith.constant 0 : index
      %get3A_144 = arith.constant 0 : index
      %get3A_145 = vector.load %arg17[%get3A_143, %get3A_144] : memref<320x64xf32, #tpu.memory_space<vmem>>, vector<320x64xf32>
      %dot_general3A_146 = arith.constant dense<0.000000e+00> : vector<256x64xf32>
      %dot_general3A_147 = tpu.matmul %concatenate3A_142, %get3A_145, %dot_general3A_146 {dimension_numbers = #tpu.dot_dimension_numbers<[1], [0], [0], [1], [0, 0, 1, 1], [], []>, transpose_lhs_hint = false} : vector<256x320xf32>, vector<320x64xf32>, vector<256x64xf32> -> vector<256x64xf32>
      %get3A_148 = arith.constant 0 : index
      %get3A_149 = arith.constant 0 : index
      %get3A_150 = vector.load %arg18[%get3A_148, %get3A_149] : memref<1x64xf32, #tpu.memory_space<vmem>>, vector<1x64xf32>
      %add3A_151 = vector.broadcast %get3A_150 : vector<1x64xf32> to vector<256x64xf32>
      %add3A_152 = arith.addf %dot_general3A_147, %add3A_151 : vector<256x64xf32>
      %concatenate3A_153 = tpu.concatenate %concatenate3A_142, %add3A_152 in 1 : vector<256x320xf32>, vector<256x64xf32> -> vector<256x384xf32>
      %get3A_154 = arith.constant 0 : index
      %get3A_155 = arith.constant 0 : index
      %get3A_156 = vector.load %arg19[%get3A_154, %get3A_155] : memref<384x96xf32, #tpu.memory_space<vmem>>, vector<384x96xf32>
      %dot_general3A_157 = arith.constant dense<0.000000e+00> : vector<256x96xf32>
      %dot_general3A_158 = tpu.matmul %concatenate3A_153, %get3A_156, %dot_general3A_157 {dimension_numbers = #tpu.dot_dimension_numbers<[1], [0], [0], [1], [0, 0, 1, 1], [], []>, transpose_lhs_hint = false} : vector<256x384xf32>, vector<384x96xf32>, vector<256x96xf32> -> vector<256x96xf32>
      %get3A_159 = arith.constant 0 : index
      %get3A_160 = arith.constant 0 : index
      %get3A_161 = vector.load %arg20[%get3A_159, %get3A_160] : memref<1x96xf32, #tpu.memory_space<vmem>>, vector<1x96xf32>
      %add3A_162 = vector.broadcast %get3A_161 : vector<1x96xf32> to vector<256x96xf32>
      %add3A_163 = arith.addf %dot_general3A_158, %add3A_162 : vector<256x96xf32>
      %max3A_164 = arith.constant 0.000000e+00 : f32
      %max3A_165 = vector.broadcast %max3A_164 : f32 to vector<256x96xf32>
      %max3A_166 = arith.maximumf %add3A_163, %max3A_165 : vector<256x96xf32>
      %get3A_167 = arith.constant 0 : index
      %get3A_168 = arith.constant 0 : index
      %get3A_169 = vector.load %arg21[%get3A_167, %get3A_168] : memref<1x96xf32, #tpu.memory_space<vmem>>, vector<1x96xf32>
      %mul3A_170 = vector.broadcast %get3A_169 : vector<1x96xf32> to vector<256x96xf32>
      %mul3A_171 = arith.mulf %max3A_166, %mul3A_170 : vector<256x96xf32>
      %reduce_sum3A = arith.constant dense<0.000000e+00> : vector<256xf32>
      %reduce_sum3A_172 = vector.multi_reduction <add>, %mul3A_171, %reduce_sum3A [1] : vector<256x96xf32> to vector<256xf32>
      %broadcast_in_dim3A_173 = vector.shape_cast %reduce_sum3A_172 : vector<256xf32> to vector<256x1xf32>
      %get3A_174 = arith.constant 0 : index
      %get3A_175 = arith.constant 0 : index
      %get3A_176 = vector.load %arg22[%get3A_174, %get3A_175] : memref<1x1xf32, #tpu.memory_space<vmem>>, vector<1x1xf32>
      %add3A_177 = vector.broadcast %get3A_176 : vector<1x1xf32> to vector<256x1xf32>
      %add3A_178 = arith.addf %broadcast_in_dim3A_173, %add3A_177 : vector<256x1xf32>
      %logistic3A = arith.negf %add3A_178 : vector<256x1xf32>
      %logistic3A_179 = math.exp %logistic3A : vector<256x1xf32>
      %logistic3A_180 = arith.constant 1.000000e+00 : f32
      %logistic3A_181 = vector.broadcast %logistic3A_180 : f32 to vector<256x1xf32>
      %logistic3A_182 = arith.addf %logistic3A_181, %logistic3A_179 : vector<256x1xf32>
      %logistic3A_183 = arith.divf %logistic3A_181, %logistic3A_182 : vector<256x1xf32>
      %exp3A = math.exp %logistic3A_183 : vector<256x1xf32>
      %max3A_184 = arith.maximumf %scan3A_53, %max3A_87 : vector<256x64xf32>
      %max3A_185 = arith.maximumf %scan3A_54, %max3A_114 : vector<256x64xf32>
      %max3A_186 = arith.maximumf %scan3A_55, %max3A_141 : vector<256x64xf32>
      %max3A_187 = arith.maximumf %scan3A_56, %add3A_152 : vector<256x64xf32>
      %mul3A_188 = vector.broadcast %exp3A : vector<256x1xf32> to vector<256x64xf32>
      %mul3A_189 = arith.mulf %mul3A_188, %max3A_87 : vector<256x64xf32>
      %add3A_190 = arith.addf %scan3A_57, %mul3A_189 : vector<256x64xf32>
      %mul3A_191 = vector.broadcast %exp3A : vector<256x1xf32> to vector<256x64xf32>
      %mul3A_192 = arith.mulf %mul3A_191, %max3A_114 : vector<256x64xf32>
      %add3A_193 = arith.addf %scan3A_58, %mul3A_192 : vector<256x64xf32>
      %mul3A_194 = vector.broadcast %exp3A : vector<256x1xf32> to vector<256x64xf32>
      %mul3A_195 = arith.mulf %mul3A_194, %max3A_141 : vector<256x64xf32>
      %add3A_196 = arith.addf %scan3A_59, %mul3A_195 : vector<256x64xf32>
      %mul3A_197 = vector.broadcast %exp3A : vector<256x1xf32> to vector<256x64xf32>
      %mul3A_198 = arith.mulf %mul3A_197, %add3A_152 : vector<256x64xf32>
      %add3A_199 = arith.addf %scan3A_60, %mul3A_198 : vector<256x64xf32>
      %add3A_200 = arith.addf %scan3A_61, %exp3A : vector<256x1xf32>
      scf.yield %max3A_184, %max3A_185, %max3A_186, %max3A_187, %add3A_190, %add3A_193, %add3A_196, %add3A_199, %add3A_200 : vector<256x64xf32>, vector<256x64xf32>, vector<256x64xf32>, vector<256x64xf32>, vector<256x64xf32>, vector<256x64xf32>, vector<256x64xf32>, vector<256x64xf32>, vector<256x1xf32>
    }
    %scan3A_21 = arith.constant 16 : i32
    %div3A = arith.constant 5.000000e-01 : f32
    %div3A_22 = vector.broadcast %div3A : f32 to vector<256x1xf32>
    %div3A_23 = arith.divf %div3A_22, %scan3A_20#8 : vector<256x1xf32>
    %mul3A = arith.constant 5.000000e-01 : f32
    %mul3A_24 = vector.broadcast %mul3A : f32 to vector<256x64xf32>
    %mul3A_25 = arith.mulf %mul3A_24, %scan3A_20#3 : vector<256x64xf32>
    %mul3A_26 = vector.broadcast %div3A_23 : vector<256x1xf32> to vector<256x64xf32>
    %mul3A_27 = arith.mulf %scan3A_20#7, %mul3A_26 : vector<256x64xf32>
    %add3A_28 = arith.addf %mul3A_25, %mul3A_27 : vector<256x64xf32>
    %mul3A_29 = arith.constant 5.000000e-01 : f32
    %mul3A_30 = vector.broadcast %mul3A_29 : f32 to vector<256x64xf32>
    %mul3A_31 = arith.mulf %mul3A_30, %scan3A_20#2 : vector<256x64xf32>
    %mul3A_32 = vector.broadcast %div3A_23 : vector<256x1xf32> to vector<256x64xf32>
    %mul3A_33 = arith.mulf %scan3A_20#6, %mul3A_32 : vector<256x64xf32>
    %add3A_34 = arith.addf %mul3A_31, %mul3A_33 : vector<256x64xf32>
    %mul3A_35 = arith.constant 5.000000e-01 : f32
    %mul3A_36 = vector.broadcast %mul3A_35 : f32 to vector<256x64xf32>
    %mul3A_37 = arith.mulf %mul3A_36, %scan3A_20#1 : vector<256x64xf32>
    %mul3A_38 = vector.broadcast %div3A_23 : vector<256x1xf32> to vector<256x64xf32>
    %mul3A_39 = arith.mulf %scan3A_20#5, %mul3A_38 : vector<256x64xf32>
    %add3A_40 = arith.addf %mul3A_37, %mul3A_39 : vector<256x64xf32>
    %mul3A_41 = arith.constant 5.000000e-01 : f32
    %mul3A_42 = vector.broadcast %mul3A_41 : f32 to vector<256x64xf32>
    %mul3A_43 = arith.mulf %mul3A_42, %scan3A_20#0 : vector<256x64xf32>
    %mul3A_44 = vector.broadcast %div3A_23 : vector<256x1xf32> to vector<256x64xf32>
    %mul3A_45 = arith.mulf %scan3A_20#4, %mul3A_44 : vector<256x64xf32>
    %add3A_46 = arith.addf %mul3A_43, %mul3A_45 : vector<256x64xf32>
    %concatenate3A = tpu.concatenate %add3A_28, %add3A_34, %add3A_40, %add3A_46, %get3A_3 in 1 : vector<256x64xf32>, vector<256x64xf32>, vector<256x64xf32>, vector<256x64xf32>, vector<256x128xf32> -> vector<256x384xf32>
    %swap3A = arith.constant 0 : index
    %swap3A_47 = arith.constant 0 : index
    %swap3A_48 = arith.constant 0 : index
    %swap3A_49 = vector.load %arg23[%swap3A, %swap3A_47, %swap3A_48] : memref<1x256x384xf32, #tpu.memory_space<vmem>>, vector<1x256x384xf32>
    %swap3A_50 = vector.shape_cast %swap3A_49 : vector<1x256x384xf32> to vector<256x384xf32>
    %swap3A_51 = vector.shape_cast %concatenate3A : vector<256x384xf32> to vector<1x256x384xf32>
    tpu.vector_store %arg23[%swap3A, %swap3A_47, %swap3A_48], %swap3A_51 {strides = array<i32>} : memref<1x256x384xf32, #tpu.memory_space<vmem>>, vector<1x256x384xf32>,
    return
  }
  func.func @transform_0(%arg0: i32, %arg1: i32) -> (i32, i32, i32) {
    %c0_i32 = arith.constant 0 : i32
    %c0_i32_0 = arith.constant 0 : i32
    return %arg0, %arg1, %c0_i32 : i32, i32, i32
  }
  func.func @transform_1(%arg0: i32, %arg1: i32) -> (i32, i32, i32) {
    %c0_i32 = arith.constant 0 : i32
    %c0_i32_0 = arith.constant 0 : i32
    return %arg0, %arg1, %c0_i32 : i32, i32, i32
  }
  func.func @transform_2(%arg0: i32, %arg1: i32) -> (i32, i32) {
    %c0_i32 = arith.constant 0 : i32
    %c0_i32_0 = arith.constant 0 : i32
    %c0_i32_1 = arith.constant 0 : i32
    return %c0_i32, %c0_i32_0 : i32, i32
  }
  func.func @transform_3(%arg0: i32, %arg1: i32) -> (i32, i32) {
    %c0_i32 = arith.constant 0 : i32
    %c0_i32_0 = arith.constant 0 : i32
    %c0_i32_1 = arith.constant 0 : i32
    return %c0_i32, %c0_i32_0 : i32, i32
  }
  func.func @transform_4(%arg0: i32, %arg1: i32) -> (i32, i32) {
    %c0_i32 = arith.constant 0 : i32
    %c0_i32_0 = arith.constant 0 : i32
    %c0_i32_1 = arith.constant 0 : i32
    return %c0_i32, %c0_i32_0 : i32, i32
  }
  func.func @transform_5(%arg0: i32, %arg1: i32) -> (i32, i32) {
    %c0_i32 = arith.constant 0 : i32
    %c0_i32_0 = arith.constant 0 : i32
    %c0_i32_1 = arith.constant 0 : i32
    return %c0_i32, %c0_i32_0 : i32, i32
  }
  func.func @transform_6(%arg0: i32, %arg1: i32) -> (i32, i32) {
    %c0_i32 = arith.constant 0 : i32
    %c0_i32_0 = arith.constant 0 : i32
    %c0_i32_1 = arith.constant 0 : i32
    return %c0_i32, %c0_i32_0 : i32, i32
  }
  func.func @transform_7(%arg0: i32, %arg1: i32) -> (i32, i32) {
    %c0_i32 = arith.constant 0 : i32
    %c0_i32_0 = arith.constant 0 : i32
    %c0_i32_1 = arith.constant 0 : i32
    return %c0_i32, %c0_i32_0 : i32, i32
  }
  func.func @transform_8(%arg0: i32, %arg1: i32) -> (i32, i32) {
    %c0_i32 = arith.constant 0 : i32
    %c0_i32_0 = arith.constant 0 : i32
    %c0_i32_1 = arith.constant 0 : i32
    return %c0_i32, %c0_i32_0 : i32, i32
  }
  func.func @transform_9(%arg0: i32, %arg1: i32) -> (i32, i32) {
    %c0_i32 = arith.constant 0 : i32
    %c0_i32_0 = arith.constant 0 : i32
    %c0_i32_1 = arith.constant 0 : i32
    return %c0_i32, %c0_i32_0 : i32, i32
  }
  func.func @transform_10(%arg0: i32, %arg1: i32) -> (i32, i32) {
    %c0_i32 = arith.constant 0 : i32
    %c0_i32_0 = arith.constant 0 : i32
    %c0_i32_1 = arith.constant 0 : i32
    return %c0_i32, %c0_i32_0 : i32, i32
  }
  func.func @transform_11(%arg0: i32, %arg1: i32) -> (i32, i32) {
    %c0_i32 = arith.constant 0 : i32
    %c0_i32_0 = arith.constant 0 : i32
    %c0_i32_1 = arith.constant 0 : i32
    return %c0_i32, %c0_i32_0 : i32, i32
  }
  func.func @transform_12(%arg0: i32, %arg1: i32) -> (i32, i32) {
    %c0_i32 = arith.constant 0 : i32
    %c0_i32_0 = arith.constant 0 : i32
    %c0_i32_1 = arith.constant 0 : i32
    return %c0_i32, %c0_i32_0 : i32, i32
  }
  func.func @transform_13(%arg0: i32, %arg1: i32) -> (i32, i32) {
    %c0_i32 = arith.constant 0 : i32
    %c0_i32_0 = arith.constant 0 : i32
    %c0_i32_1 = arith.constant 0 : i32
    return %c0_i32, %c0_i32_0 : i32, i32
  }
  func.func @transform_14(%arg0: i32, %arg1: i32) -> (i32, i32) {
    %c0_i32 = arith.constant 0 : i32
    %c0_i32_0 = arith.constant 0 : i32
    %c0_i32_1 = arith.constant 0 : i32
    return %c0_i32, %c0_i32_0 : i32, i32
  }
  func.func @transform_15(%arg0: i32, %arg1: i32) -> (i32, i32) {
    %c0_i32 = arith.constant 0 : i32
    %c0_i32_0 = arith.constant 0 : i32
    %c0_i32_1 = arith.constant 0 : i32
    return %c0_i32, %c0_i32_0 : i32, i32
  }
  func.func @transform_16(%arg0: i32, %arg1: i32) -> (i32, i32) {
    %c0_i32 = arith.constant 0 : i32
    %c0_i32_0 = arith.constant 0 : i32
    %c0_i32_1 = arith.constant 0 : i32
    return %c0_i32, %c0_i32_0 : i32, i32
  }
  func.func @transform_17(%arg0: i32, %arg1: i32) -> (i32, i32) {
    %c0_i32 = arith.constant 0 : i32
    %c0_i32_0 = arith.constant 0 : i32
    %c0_i32_1 = arith.constant 0 : i32
    return %c0_i32, %c0_i32_0 : i32, i32
  }
  func.func @transform_18(%arg0: i32, %arg1: i32) -> (i32, i32) {
    %c0_i32 = arith.constant 0 : i32
    %c0_i32_0 = arith.constant 0 : i32
    %c0_i32_1 = arith.constant 0 : i32
    return %c0_i32, %c0_i32_0 : i32, i32
  }
  func.func @transform_19(%arg0: i32, %arg1: i32) -> (i32, i32) {
    %c0_i32 = arith.constant 0 : i32
    %c0_i32_0 = arith.constant 0 : i32
    %c0_i32_1 = arith.constant 0 : i32
    return %c0_i32, %c0_i32_0 : i32, i32
  }
  func.func @transform_20(%arg0: i32, %arg1: i32) -> (i32, i32) {
    %c0_i32 = arith.constant 0 : i32
    %c0_i32_0 = arith.constant 0 : i32
    %c0_i32_1 = arith.constant 0 : i32
    return %c0_i32, %c0_i32_0 : i32, i32
  }
  func.func @transform_21(%arg0: i32, %arg1: i32) -> (i32, i32, i32) {
    %c0_i32 = arith.constant 0 : i32
    %c0_i32_0 = arith.constant 0 : i32
    return %arg0, %arg1, %c0_i32 : i32, i32, i32
  }
}

</mosaic_0001>

<sc_bundles>
// kernel: kernel.5.cloned.1.call-start
scs
__scs_entry_jumppad:
0x0: {  	(pc) =	sbr.rel $0x88, $3  }
0x1: {  	(tag) =	ssettag $0x0;
	lr =	simm.s32 $0x1  }
0x2: {  	[smem:$0x3F8D] =	sst lr;
	_ =	strace $0xD0000000  }
0x3: {  	_ = 	snop  }
0x4: {  	_ = 	snop  }
0x5: {  	_ = 	snop  }
0x6: {  	_ = 	snop  }
0x7: {  	_ = 	snop  }
__scs_overlays_trampoline_lowered:
0x8: {  	[smem:$0x3F9C] =	sst s0  }
0x9: {  	[smem:$0x3F9D] =	sst s1  }
0xa: {  	[smem:$0x3F9E] =	sst s2  }
0xb: {  	[smem:$0x3F9F] =	sst s3  }
0xc: {  	[smem:$0x3FA0] =	sst s4  }
0xd: {  	[smem:$0x3FA1] =	sst s5  }
0xe: {  	[smem:$0x3FA2] =	sst s6  }
0xf: {  	[smem:$0x3FA3] =	sst s7  }
0x10: {  	[smem:$0x3FA4] =	sst s8  }
0x11: {  	[smem:$0x3FA5] =	sst s9;
	s0 =	simm.s32 @!p0 $0x0  }
0x12: {  	s1 =	sld [smem:$0x3F8B];
	s0 =	simm.s32 @p0 $0x1  }
0x13: {  	[smem:$0x3FA6] =	sst s0;
	s0 =	simm.s32 @!p1 $0x0  }
0x14: {  	s2 =	sld [smem:$0x3F8A];
	s0 =	simm.s32 @p1 $0x1  }
0x15: {  	[smem:$0x3FA7] =	sst s0;
	s0 =	simm.s32 @!p2 $0x0  }
0x16: {  	s3 =	sld [smem:$0x3FDB];
	s0 =	simm.s32 @p2 $0x1  }
0x17: {  	s4 =	simm.s32 $0x1BF5;
	[smem:$0x3FA9] =	sst s0  }
0x18: {  	s0 =	sld [smem:$0x3F8C];
	_ =	swait.ge [sflag:s4], $0x0  }
0x19: {  	s7 =	sld [smem:$0x3F8D]  }
0x1a: {  	s8 =	sadd.s32 $0xFFFFE003, lr  }
0x1b: {  	s9 =	sadd.s32 $0xFFFFFEF7, lr;
	s5 =	simm.s32 $0xFFFFFFFF;
	p2 =	slt.u32 s8, $0xFFFFF086  }
0x1c: {  	p1 =	slt.u32 s9, $0xF7A;
	s5 =	simm.s32 @!p2 $0x0  }
0x1d: {  	s5 =	simm.s32 @p1 $0x1;
	p0 =	seq.s32 s7, s2  }
0x1e: {  	s7 =	smul.u32 @!p0 $0xF7A, s2;
	p2 =	seq.s32 @!p0 s5, $0x0  }
0x1f: {  	s9 =	smul.u32 $0xF7A, s1;
	s8 =	simm.s32 @!p0 $0x1BF5;
	p2 =	por !p2, p0  }
0x20: {  	[sflag:s8] =	ssyncset.s32 @!p0 $0xFFFFF086;
	s6 =	sadd.s32 @!p0 s3, s7;
	s7 =	simm.s32 @!p0 $0x108  }
0x21: {  	s3 =	sadd.s32 s3, s9;
	s6 =	sadd.s32 @!p0 $0x88, s6;
	s7 =	simm.s32 @p2 $0x1082  }
0x22: {  	[simem:s7], [sflag:s8] =	dma.local @!p0 [hbm:s6], $0xF7A  }
0x23: {  	s9 =	sor.u32 $0xD0000000, s2;
	s6 =	simm.s32 $0x108;
	_ =	swait.ge @!p0 [sflag:s8], $0x0  }
0x24: {  	s3 =	sadd.s32 $0x88, s3;
	s6 =	simm.s32 @!p1 $0x1082;
	[sflag:s4] =	ssyncset.s32 $0xFFFFF086  }
0x25: {  	[simem:s6], [sflag:s4] =	dma.local [hbm:s3], $0xF7A  }
0x26: {  	[smem:$0x3F8D] =	sst s1;
	(tag) =	ssettag s2;
	_ =	strace s9  }
0x27: {  	s1 =	sld [smem:$0x3F9D]  }
0x28: {  	s2 =	sld [smem:$0x3F9E]  }
0x29: {  	s4 =	sld [smem:$0x3FA0]  }
0x2a: {  	p0 =	seq.s32 s5, $0x0;
	s5 =	sld [smem:$0x3FA1]  }
0x2b: {  	s6 =	sld [smem:$0x3FA2]  }
0x2c: {  	s7 =	sld [smem:$0x3FA3]  }
0x2d: {  	s3 =	simm.s32 $0x108;
	s8 =	sld [smem:$0x3FA4]  }
0x2e: {  	s3 =	simm.s32 @!p0 $0x1082;
	s9 =	sld [smem:$0x3FA5]  }
0x2f: {  	lr =	sadd.s32 s0, s3;
	s0 =	sld [smem:$0x3F9C]  }
0x30: {  	s3 =	sld [smem:$0x3F9F]  }
0x31: {  	[smem:$0x3FA8] =	sst s10  }
0x32: {  	s10 =	sld [smem:$0x3FA6];
	_ =	sdelay $0x3  }
0x33: {  	p0 =	seq.s32 s10, $0x1;
	s10 =	sld [smem:$0x3FA8];
	_ =	sdelay $0x3  }
0x34: {  	[smem:$0x3FA8] =	sst s10  }
0x35: {  	s10 =	sld [smem:$0x3FA7];
	_ =	sdelay $0x3  }
0x36: {  	p1 =	seq.s32 s10, $0x1;
	s10 =	sld [smem:$0x3FA8];
	_ =	sdelay $0x3  }
0x37: {  	[smem:$0x3FA8] =	sst s10  }
0x38: {  	s10 =	sld [smem:$0x3FA9]  }
0x39: {  	_ = 	snop;
	(pc) =	sbr.ind lr, $3  }
0x3a: {  	_ = 	snop  }
0x3b: {  	_ = 	snop  }
0x3c: {  	p2 =	seq.s32 s10, $0x1;
	s10 =	sld [smem:$0x3FA8]  }
0x3d: {  	_ =	shalt  }
0x3e: {  	_ =	shalt  }
0x3f: {  	_ =	shalt  }
0x40: {  	_ =	shalt  }
0x41: {  	_ =	shalt  }
0x42: {  	_ =	shalt  }
0x43: {  	_ =	shalt  }
0x44: {  	_ =	shalt  }
0x45: {  	_ =	shalt  }
0x46: {  	_ =	shalt  }
0x47: {  	_ =	shalt  }
0x48: {  	_ =	shalt  }
0x49: {  	_ =	shalt  }
0x4a: {  	_ =	shalt  }
0x4b: {  	_ =	shalt  }
0x4c: {  	_ =	shalt  }
0x4d: {  	_ =	shalt  }
0x4e: {  	_ =	shalt  }
0x4f: {  	_ =	shalt  }
0x50: {  	_ =	shalt  }
0x51: {  	_ =	shalt  }
0x52: {  	_ =	shalt  }
0x53: {  	_ =	shalt  }
0x54: {  	_ =	shalt  }
0x55: {  	_ =	shalt  }
0x56: {  	_ =	shalt  }
0x57: {  	_ =	shalt  }
0x58: {  	_ =	shalt  }
0x59: {  	_ =	shalt  }
0x5a: {  	_ =	shalt  }
0x5b: {  	_ =	shalt  }
0x5c: {  	_ =	shalt  }
0x5d: {  	_ =	shalt  }
0x5e: {  	_ =	shalt  }
0x5f: {  	_ =	shalt  }
0x60: {  	_ =	shalt  }
0x61: {  	_ =	shalt  }
0x62: {  	_ =	shalt  }
0x63: {  	_ =	shalt  }
0x64: {  	_ =	shalt  }
0x65: {  	_ =	shalt  }
0x66: {  	_ =	shalt  }
0x67: {  	_ =	shalt  }
0x68: {  	_ =	shalt  }
0x69: {  	_ =	shalt  }
0x6a: {  	_ =	shalt  }
0x6b: {  	_ =	shalt  }
0x6c: {  	_ =	shalt  }
0x6d: {  	_ =	shalt  }
0x6e: {  	_ =	shalt  }
0x6f: {  	_ =	shalt  }
0x70: {  	_ =	shalt  }
0x71: {  	_ =	shalt  }
0x72: {  	_ =	shalt  }
0x73: {  	_ =	shalt  }
0x74: {  	_ =	shalt  }
0x75: {  	_ =	shalt  }
0x76: {  	_ =	shalt  }
0x77: {  	_ =	shalt  }
0x78: {  	_ =	shalt  }
0x79: {  	_ =	shalt  }
0x7a: {  	_ =	shalt  }
0x7b: {  	_ =	shalt  }
0x7c: {  	_ =	shalt  }
0x7d: {  	_ =	shalt  }
0x7e: {  	_ =	shalt  }
0x7f: {  	_ =	shalt  }
0x80: {  	_ =	shalt  }
0x81: {  	_ =	shalt  }
0x82: {  	_ =	shalt  }
0x83: {  	_ =	shalt  }
0x84: {  	_ =	shalt  }
0x85: {  	_ =	shalt  }
0x86: {  	_ =	shalt  }
0x87: {  	_ =	shalt  }
.Lfunc_end0:
.L_simem_size_0:
called_computation_lowered:
.L_overlay_start_0:
0x88: {  	s2 =	sld [smem:$0x3FD9]  }
0x89: {  	s3 =	sld [smem:$0x3FFE];
	_ =	sdelay $0x1  }
0x8a: {  	s1 =	srdreg.scid  }
0x8b: {  	s0 =	sand.u32 $0x1, s1  }
0x8c: {  	s17 =	sshll.u32 s0, $0xA;
	s2 =	sadd.s32 s3, s2  }
0x8d: {  	s2 =	sadd.s32 s2, s17  }
0x8e: {  	[smem:$0x3FB4] =	sst s2  }
0x8f: {  	_ = 	snop  }
0x90: {  	s2 =	sld [smem:$0x3FC9]  }
0x91: {  	s18 =	sld [smem:$0x3FD0];
	(tm) =	ssettm $0x1  }
0x92: {  	s4 =	sld [smem:$0x3FFB];
	_ =	sdelay $0x3  }
0x93: {  	_ =	strace s4  }
0x94: {  	s4 =	sld [smem:$0x3FFC];
	_ =	sdelay $0x3  }
0x95: {  	_ =	strace s4  }
0x96: {  	s4 =	sld [smem:$0x3FFD];
	_ =	sdelay $0x3  }
0x97: {  	_ =	strace s4  }
0x98: {  	_ =	strace $0x8FFFFFFF  }
0x99: {  	s19 =	sld [smem:$0x3FDB];
	_ =	sdelay $0x1  }
0x9a: {  	s5 =	simm.s32 $_scs_section_size  }
0x9b: {  	s6 =	simm.s32 $_size__tile_overlayer_lowered;
	s7 =	simm.s32 $_tile_overlayer_lowered  }
0x9c: {  	s22 =	simm.s32 $0x1BFF;
	s21 =	sshll.u32 s7, $0x1;
	s4 =	sadd.s32 s5, s19  }
0x9d: {  	s8 =	simm.s32 $0x0;
	s20 =	sshll.u32 s6, $0x1;
	s6 =	sadd.s32 s21, s4  }
0x9e: {  	[timem:s8], [sflag:s22] =	dma.local [hbm:s6], s20  }
0x9f: {  	_ =	swait.ge [sflag:s22], s20  }
0xa0: {  	s5 =	ssub.s32 $0x0, s20;
	[sflag:s22] =	ssyncset.done $0x0  }
0xa1: {  	[sflag:s22] =	ssyncadd.s32 s5;
	_ =	sdelay $0x1  }
0xa2: {  	s23 =	simm.s32 $0x1B8B  }
0xa3: {  	_ =	swait.ge [sflag:s23], $0x1  }
0xa4: {  	[sflag:s23] =	ssyncset.done $0x0  }
0xa5: {  	s25 =	simm.s32 $0x1B8E;
	s24 =	sld [smem:$0x3FFE];
	[sflag:s23] =	ssyncadd.s32 $0xFFFFFFFF  }
0xa6: {  	s26 =	simm.s32 $execute0_lowered;
	[smem:$0x3FD2] =	sst s25  }
0xa7: {  	s6 =	sshll.u32 s26, $0x1;
	_ =	strace $0x80000046;
	[dreg:$0x1] =	wrdreg $0xFFFFFFFF  }
0xa8: {  	s28 =	simm.s32 $_size_execute0_lowered;
	s4 =	sadd.s32 s4, s6;
	[dreg:$0x0] =	wrdreg $0x0  }
0xa9: {  	s6 =	sshll.u32 s28, $0x1;
	[dreg:$0x2] =	wrdreg s4  }
0xaa: {  	[dreg:$0x3] =	wrdreg s6  }
0xab: {  	[dreg:$0x4] =	wrdreg $0xC0  }
0xac: {  	_ =	task [dreg:s8], $0x5FFFF  }
0xad: {  	[dreg:$0x1] =	wrdreg $0xFFFFFFFF  }
0xae: {  	[dreg:$0x0] =	wrdreg $0x60  }
0xaf: {  	[dreg:$0x2] =	wrdreg s2  }
0xb0: {  	[dreg:$0x3] =	wrdreg s18  }
0xb1: {  	[dreg:$0x4] =	wrdreg s24  }
0xb2: {  	[dreg:$0x5] =	wrdreg $0x9  }
0xb3: {  	_ =	task.clear_ibuf [dreg:s8], $0x6FFFF;
	_ =	strace $0x90000046  }
0xb4: {  	s29 =	simm.s32 $0x9;
	_ =	strace $0x80000048  }
0xb5: {  	_ =	swait.ge [sflag:s29], $0x1  }
0xb6: {  	[sflag:s29] =	ssyncadd.s32 $0xFFFFFFFF  }
0xb7: {  	_ =	strace $0x90000048  }
0xb8: {  	_ =	sfence  }
0xb9: {  	s30 =	sld [smem:$0x0];
	_ =	sdelay $0x2  }
0xba: {  	s31 =	sshll.u32 s1, $0xD;
	s1 =	sshrl.u32 s1, $0x2  }
0xbb: {  	s3 =	sand.u32 $0x4000, s31;
	s1 =	sadd.s32 s1, s30  }
0xbc: {  	s0 =	sor.u32 s3, s0;
	s1 =	sshll.u32 s1, $0x11  }
0xbd: {  	s0 =	sor.u32 s1, s0  }
0xbe: {  	s0 =	sadd.s32 $0x8F2B, s0  }
0xbf: {  	[sflag:s0] =	ssyncadd.remote.s32 $0x1  }
0xc0: {  	_ =	sfence.sel $0xFFFF  }
0xc1: {  	[dreg:$0x0] =	wrdreg $0xFFFFFFFF;
	(pc) =	sbr.abs _section_cstart, $3  }
0xc2: {  	[dreg:$0x1] =	wrdreg $0xFFFFFFFF  }
0xc3: {  	_ =	task.clear_ibuf [dreg:s8], $0x2FFFF;
	_ =	strace $0x9FFFFFFF  }
0xc4: {  	(tm) =	ssettm $0x7FFFFFFF  }
0xc5: {  	_ =	shalt  }
tec
execute0_lowered:
.L_overlay_start_1:
0x0: {  	(tag) =	ssettag $0x1  }
0x1: {  	s1 =	srdreg.scid  }
0x2: {  	s2 =	rddreg [dreg:$0x0];
	s0 =	stileid.u32;
	s1 =	sand.u32 $0x1, s1  }
0x3: {  	s4 =	rddreg [dreg:$0x1];
	s6 =	sshll.u32 s0, $0xC;
	s7 =	sshll.u32 s1, $0xB  }
0x4: {  	s5 =	rddreg [dreg:$0x2];
	s6 =	sor.u32 s7, s6  }
0x5: {  	s3 =	simm.s32 $0x0;
	s7 =	sshll.u32 s6, $0x4;
	s6 =	sshrl.u32 s6, $0x3  }
0x6: {  	[smem:$0x7FF] =	sst s3;
	s31 =	sadd.s32 s7, s5;
	s4 =	sadd.s32 s4, s6  }
0x7: {  	_ =	strace $0x80000047;
	[dreg:$0x4] =	wrdreg s4;
	s17 =	sadd.s32 $0x3E00, s31  }
0x8: {  	s18 =	sadd.s32 $0x4600, s31;
	[dreg:$0x5] =	wrdreg s17  }
0x9: {  	s19 =	sadd.s32 $0x4E00, s31;
	[dreg:$0x6] =	wrdreg s18  }
0xa: {  	s20 =	sadd.s32 $0x5600, s31;
	[dreg:$0x7] =	wrdreg s19  }
0xb: {  	s21 =	sadd.s32 $0x5E00, s31;
	[dreg:$0x8] =	wrdreg s20  }
0xc: {  	s22 =	sadd.s32 $0x6600, s31;
	[dreg:$0x9] =	wrdreg s21  }
0xd: {  	s23 =	sadd.s32 $0x6E00, s31;
	[dreg:$0xa] =	wrdreg s22  }
0xe: {  	[dreg:$0xb] =	wrdreg s23  }
0xf: {  	s24 =	sadd.s32 $0x7600, s31;
	s25 =	rddreg [dreg:$0x4]  }
0x10: {  	s26 =	sadd.s32 $0x7E00, s31;
	[dreg:$0xc] =	wrdreg s24  }
0x11: {  	s4 =	simm.s32 $0x3;
	[dreg:$0xd] =	wrdreg s26  }
0x12: {  	[tilespmem:s3], [sflag:$0x3] =	stream.linear.gather [hbm4b:s25+s3], $0x800, $0x38;
	[tilespmem:$0x8800] =	vst v63  }
0x13: {  	_ =	swait.ge [sflag:s4], $0x800  }
0x14: {  	[sflag:s4] =	ssyncset.done $0x0  }
0x15: {  	s5 =	simm.s32 $0x80;
	s6 =	simm.s32 $0x800;
	[sflag:s4] =	ssyncadd.s32 $0xFFFFF800  }
0x16: {  	[tilespmem:s6], [sflag:$0x1] =	stream.indirect.gather [hbm4b:s2+s5], $0x80, s3, s5, $0xb8;
	[tilespmem:$0x8800] =	vst v63  }
0x17: {  	s8 =	simm.s32 $0x1;
	s7 =	simm.s32 $0x4800  }
0x18: {  	[tilespmem:s7], [sflag:$0x2] =	stream.indirect.gather [hbm4b:s2+s5], $0x80, s5, s5, $0xb8;
	[tilespmem:$0x8800] =	vst v63  }
0x19: {  	_ =	swait.ge [sflag:s8], $0x4000  }
0x1a: {  	[sflag:s8] =	ssyncset.done $0x0  }
0x1b: {  	s9 =	rddreg [dreg:$0x5];
	[sflag:s8] =	ssyncadd.s32 $0xFFFFC000  }
0x1c: {  	[hbm4b:s9+s3] =	stream.linear.scatter [tilespmem:s6], [sflag:$0x3], $0x4000, $0x38;
	[tilespmem:$0x8800] =	vst v63  }
0x1d: {  	_ =	swait.ge [sflag:s4], $0x4000  }
0x1e: {  	[sflag:s4] =	ssyncset.done $0x0  }
0x1f: {  	s10 =	simm.s32 $0x2;
	s9 =	simm.s32 $0x100;
	[sflag:s4] =	ssyncadd.s32 $0xFFFFC000  }
0x20: {  	[tilespmem:s6], [sflag:$0x1] =	stream.indirect.gather [hbm4b:s2+s5], $0x80, s9, s5, $0xb8;
	[tilespmem:$0x8800] =	vst v63  }
0x21: {  	_ =	swait.ge [sflag:s10], $0x4000  }
0x22: {  	[sflag:s10] =	ssyncset.done $0x0  }
0x23: {  	s11 =	rddreg [dreg:$0x6];
	[sflag:s10] =	ssyncadd.s32 $0xFFFFC000  }
0x24: {  	[hbm4b:s11+s3] =	stream.linear.scatter [tilespmem:s7], [sflag:$0x3], $0x4000, $0x38;
	[tilespmem:$0x8800] =	vst v63  }
0x25: {  	_ =	swait.ge [sflag:s4], $0x4000  }
0x26: {  	[sflag:s4] =	ssyncset.done $0x0  }
0x27: {  	s11 =	simm.s32 $0x180;
	[sflag:s4] =	ssyncadd.s32 $0xFFFFC000  }
0x28: {  	[tilespmem:s7], [sflag:$0x2] =	stream.indirect.gather [hbm4b:s2+s5], $0x80, s11, s5, $0xb8;
	[tilespmem:$0x8800] =	vst v63  }
0x29: {  	_ =	swait.ge [sflag:s8], $0x4000  }
0x2a: {  	[sflag:s8] =	ssyncset.done $0x0  }
0x2b: {  	s12 =	rddreg [dreg:$0x7];
	[sflag:s8] =	ssyncadd.s32 $0xFFFFC000  }
0x2c: {  	[hbm4b:s12+s3] =	stream.linear.scatter [tilespmem:s6], [sflag:$0x3], $0x4000, $0x38;
	[tilespmem:$0x8800] =	vst v63  }
0x2d: {  	_ =	swait.ge [sflag:s4], $0x4000  }
0x2e: {  	[sflag:s4] =	ssyncset.done $0x0  }
0x2f: {  	s12 =	simm.s32 $0x200;
	[sflag:s4] =	ssyncadd.s32 $0xFFFFC000  }
0x30: {  	[tilespmem:s6], [sflag:$0x1] =	stream.indirect.gather [hbm4b:s2+s5], $0x80, s12, s5, $0xb8;
	[tilespmem:$0x8800] =	vst v63  }
0x31: {  	_ =	swait.ge [sflag:s10], $0x4000  }
0x32: {  	[sflag:s10] =	ssyncset.done $0x0  }
0x33: {  	s13 =	rddreg [dreg:$0x8];
	[sflag:s10] =	ssyncadd.s32 $0xFFFFC000  }
0x34: {  	[hbm4b:s13+s3] =	stream.linear.scatter [tilespmem:s7], [sflag:$0x3], $0x4000, $0x38;
	[tilespmem:$0x8800] =	vst v63  }
0x35: {  	_ =	swait.ge [sflag:s4], $0x4000  }
0x36: {  	[sflag:s4] =	ssyncset.done $0x0  }
0x37: {  	s13 =	simm.s32 $0x280;
	[sflag:s4] =	ssyncadd.s32 $0xFFFFC000  }
0x38: {  	[tilespmem:s7], [sflag:$0x2] =	stream.indirect.gather [hbm4b:s2+s5], $0x80, s13, s5, $0xb8;
	[tilespmem:$0x8800] =	vst v63  }
0x39: {  	_ =	swait.ge [sflag:s8], $0x4000  }
0x3a: {  	[sflag:s8] =	ssyncset.done $0x0  }
0x3b: {  	s14 =	rddreg [dreg:$0x9];
	[sflag:s8] =	ssyncadd.s32 $0xFFFFC000  }
0x3c: {  	[hbm4b:s14+s3] =	stream.linear.scatter [tilespmem:s6], [sflag:$0x3], $0x4000, $0x38;
	[tilespmem:$0x8800] =	vst v63  }
0x3d: {  	_ =	swait.ge [sflag:s4], $0x4000  }
0x3e: {  	[sflag:s4] =	ssyncset.done $0x0  }
0x3f: {  	s14 =	simm.s32 $0x300;
	[sflag:s4] =	ssyncadd.s32 $0xFFFFC000  }
0x40: {  	[tilespmem:s6], [sflag:$0x1] =	stream.indirect.gather [hbm4b:s2+s5], $0x80, s14, s5, $0xb8;
	[tilespmem:$0x8800] =	vst v63  }
0x41: {  	_ =	swait.ge [sflag:s10], $0x4000  }
0x42: {  	[sflag:s10] =	ssyncset.done $0x0  }
0x43: {  	s15 =	rddreg [dreg:$0xa];
	[sflag:s10] =	ssyncadd.s32 $0xFFFFC000  }
0x44: {  	[hbm4b:s15+s3] =	stream.linear.scatter [tilespmem:s7], [sflag:$0x3], $0x4000, $0x38;
	[tilespmem:$0x8800] =	vst v63  }
0x45: {  	_ =	swait.ge [sflag:s4], $0x4000  }
0x46: {  	[sflag:s4] =	ssyncset.done $0x0  }
0x47: {  	s15 =	simm.s32 $0x380;
	[sflag:s4] =	ssyncadd.s32 $0xFFFFC000  }
0x48: {  	[tilespmem:s7], [sflag:$0x2] =	stream.indirect.gather [hbm4b:s2+s5], $0x80, s15, s5, $0xb8;
	[tilespmem:$0x8800] =	vst v63  }
0x49: {  	_ =	swait.ge [sflag:s8], $0x4000  }
0x4a: {  	[sflag:s8] =	ssyncset.done $0x0  }
0x4b: {  	s16 =	rddreg [dreg:$0xb];
	[sflag:s8] =	ssyncadd.s32 $0xFFFFC000  }
0x4c: {  	[hbm4b:s16+s3] =	stream.linear.scatter [tilespmem:s6], [sflag:$0x3], $0x4000, $0x38;
	[tilespmem:$0x8800] =	vst v63  }
0x4d: {  	_ =	swait.ge [sflag:s4], $0x4000  }
0x4e: {  	[sflag:s4] =	ssyncset.done $0x0  }
0x4f: {  	s16 =	simm.s32 $0x400;
	[sflag:s4] =	ssyncadd.s32 $0xFFFFC000  }
0x50: {  	[tilespmem:s6], [sflag:$0x1] =	stream.indirect.gather [hbm4b:s2+s5], $0x80, s16, s5, $0xb8;
	[tilespmem:$0x8800] =	vst v63  }
0x51: {  	_ =	swait.ge [sflag:s10], $0x4000  }
0x52: {  	[sflag:s10] =	ssyncset.done $0x0  }
0x53: {  	s17 =	rddreg [dreg:$0xc];
	[sflag:s10] =	ssyncadd.s32 $0xFFFFC000  }
0x54: {  	[hbm4b:s17+s3] =	stream.linear.scatter [tilespmem:s7], [sflag:$0x3], $0x4000, $0x38;
	[tilespmem:$0x8800] =	vst v63  }
0x55: {  	_ =	swait.ge [sflag:s4], $0x4000  }
0x56: {  	[sflag:s4] =	ssyncset.done $0x0  }
0x57: {  	s17 =	simm.s32 $0x480;
	[sflag:s4] =	ssyncadd.s32 $0xFFFFC000  }
0x58: {  	[tilespmem:s7], [sflag:$0x2] =	stream.indirect.gather [hbm4b:s2+s5], $0x80, s17, s5, $0xb8;
	[tilespmem:$0x8800] =	vst v63  }
0x59: {  	_ =	swait.ge [sflag:s8], $0x4000  }
0x5a: {  	[sflag:s8] =	ssyncset.done $0x0  }
0x5b: {  	s18 =	rddreg [dreg:$0xd];
	[sflag:s8] =	ssyncadd.s32 $0xFFFFC000  }
0x5c: {  	[hbm4b:s18+s3] =	stream.linear.scatter [tilespmem:s6], [sflag:$0x3], $0x4000, $0x38;
	[tilespmem:$0x8800] =	vst v63  }
0x5d: {  	_ =	swait.ge [sflag:s4], $0x4000  }
0x5e: {  	[sflag:s4] =	ssyncset.done $0x0  }
0x5f: {  	s18 =	simm.s32 $0x500;
	[sflag:s4] =	ssyncadd.s32 $0xFFFFC000  }
0x60: {  	[tilespmem:s6], [sflag:$0x1] =	stream.indirect.gather [hbm4b:s2+s5], $0x80, s18, s5, $0xb8;
	[tilespmem:$0x8800] =	vst v63  }
0x61: {  	_ =	swait.ge [sflag:s10], $0x4000  }
0x62: {  	[sflag:s10] =	ssyncset.done $0x0  }
0x63: {  	s19 =	sadd.s32 $0x8600, s31;
	[sflag:s10] =	ssyncadd.s32 $0xFFFFC000  }
0x64: {  	[hbm4b:s19+s3] =	stream.linear.scatter [tilespmem:s7], [sflag:$0x3], $0x4000, $0x38;
	[tilespmem:$0x8800] =	vst v63  }
0x65: {  	_ =	swait.ge [sflag:s4], $0x4000  }
0x66: {  	[sflag:s4] =	ssyncset.done $0x0  }
0x67: {  	s20 =	simm.s32 $0x580;
	[sflag:s4] =	ssyncadd.s32 $0xFFFFC000  }
0x68: {  	[tilespmem:s7], [sflag:$0x2] =	stream.indirect.gather [hbm4b:s2+s5], $0x80, s20, s5, $0xb8;
	[tilespmem:$0x8800] =	vst v63  }
0x69: {  	_ =	swait.ge [sflag:s8], $0x4000  }
0x6a: {  	[sflag:s8] =	ssyncset.done $0x0  }
0x6b: {  	s21 =	sadd.s32 $0x8E00, s31;
	[sflag:s8] =	ssyncadd.s32 $0xFFFFC000  }
0x6c: {  	[hbm4b:s21+s3] =	stream.linear.scatter [tilespmem:s6], [sflag:$0x3], $0x4000, $0x38;
	[tilespmem:$0x8800] =	vst v63  }
0x6d: {  	_ =	swait.ge [sflag:s4], $0x4000  }
0x6e: {  	[sflag:s4] =	ssyncset.done $0x0  }
0x6f: {  	s22 =	simm.s32 $0x600;
	[sflag:s4] =	ssyncadd.s32 $0xFFFFC000  }
0x70: {  	[tilespmem:s6], [sflag:$0x1] =	stream.indirect.gather [hbm4b:s2+s5], $0x80, s22, s5, $0xb8;
	[tilespmem:$0x8800] =	vst v63  }
0x71: {  	_ =	swait.ge [sflag:s10], $0x4000  }
0x72: {  	[sflag:s10] =	ssyncset.done $0x0  }
0x73: {  	s23 =	sadd.s32 $0x9600, s31;
	[sflag:s10] =	ssyncadd.s32 $0xFFFFC000  }
0x74: {  	[hbm4b:s23+s3] =	stream.linear.scatter [tilespmem:s7], [sflag:$0x3], $0x4000, $0x38;
	[tilespmem:$0x8800] =	vst v63  }
0x75: {  	_ =	swait.ge [sflag:s4], $0x4000  }
0x76: {  	[sflag:s4] =	ssyncset.done $0x0  }
0x77: {  	s24 =	simm.s32 $0x680;
	[sflag:s4] =	ssyncadd.s32 $0xFFFFC000  }
0x78: {  	[tilespmem:s7], [sflag:$0x2] =	stream.indirect.gather [hbm4b:s2+s5], $0x80, s24, s5, $0xb8;
	[tilespmem:$0x8800] =	vst v63  }
0x79: {  	_ =	swait.ge [sflag:s8], $0x4000  }
0x7a: {  	[sflag:s8] =	ssyncset.done $0x0  }
0x7b: {  	s25 =	sadd.s32 $0x9E00, s31;
	[sflag:s8] =	ssyncadd.s32 $0xFFFFC000  }
0x7c: {  	[hbm4b:s25+s3] =	stream.linear.scatter [tilespmem:s6], [sflag:$0x3], $0x4000, $0x38;
	[tilespmem:$0x8800] =	vst v63  }
0x7d: {  	_ =	swait.ge [sflag:s4], $0x4000  }
0x7e: {  	[sflag:s4] =	ssyncset.done $0x0  }
0x7f: {  	s26 =	simm.s32 $0x700;
	[sflag:s4] =	ssyncadd.s32 $0xFFFFC000  }
0x80: {  	[tilespmem:s6], [sflag:$0x1] =	stream.indirect.gather [hbm4b:s2+s5], $0x80, s26, s5, $0xb8;
	[tilespmem:$0x8800] =	vst v63  }
0x81: {  	_ =	swait.ge [sflag:s10], $0x4000  }
0x82: {  	[sflag:s10] =	ssyncset.done $0x0  }
0x83: {  	s28 =	sadd.s32 $0xA600, s31;
	[sflag:s10] =	ssyncadd.s32 $0xFFFFC000  }
0x84: {  	[hbm4b:s28+s3] =	stream.linear.scatter [tilespmem:s7], [sflag:$0x3], $0x4000, $0x38;
	[tilespmem:$0x8800] =	vst v63  }
0x85: {  	_ =	swait.ge [sflag:s4], $0x4000  }
0x86: {  	[sflag:s4] =	ssyncset.done $0x0  }
0x87: {  	s29 =	simm.s32 $0x780;
	[sflag:s4] =	ssyncadd.s32 $0xFFFFC000  }
0x88: {  	[tilespmem:s7], [sflag:$0x2] =	stream.indirect.gather [hbm4b:s2+s5], $0x80, s29, s5, $0xb8;
	[tilespmem:$0x8800] =	vst v63  }
0x89: {  	_ =	swait.ge [sflag:s8], $0x4000  }
0x8a: {  	s1 =	ssub.s32 $0x2, s1;
	[sflag:s8] =	ssyncset.done $0x0  }
0x8b: {  	s0 =	sshrl.u32 s1, $0x1;
	s30 =	sadd.s32 $0xAE00, s31;
	[sflag:s8] =	ssyncadd.s32 $0xFFFFC000  }
0x8c: {  	[hbm4b:s30+s3] =	stream.linear.scatter [tilespmem:s6], [sflag:$0x3], $0x4000, $0x38;
	[tilespmem:$0x8800] =	vst v63  }
0x8d: {  	s0 =	ssub.s32 s1, s0;
	_ =	swait.ge [sflag:s4], $0x4000  }
0x8e: {  	s0 =	smax.u32 s0, $0x1;
	[sflag:s4] =	ssyncset.done $0x0  }
0x8f: {  	p0 =	sne.s32 s0, $0x1;
	[sflag:s4] =	ssyncadd.s32 $0xFFFFC000  }
.Ltmp0:
0x90: {  	_ =	swait.ge [sflag:s10], $0x4000;
	(pc) =	sbr.rel @!p0 .LBB2_2-.Ltmp0, $4  }
0x91: {  	[sflag:s10] =	ssyncset.done $0x0  }
0x92: {  	s31 =	sadd.s32 $0xB600, s31;
	[sflag:s10] =	ssyncadd.s32 $0xFFFFC000  }
0x93: {  	[hbm4b:s31+s3] =	stream.linear.scatter [tilespmem:s7], [sflag:$0x3], $0x4000, $0x38;
	[tilespmem:$0x8800] =	vst v63  }
0x94: {  	s1 =	sadd.s32 $0xFFFFFFFF, s0;
	_ =	swait.ge [sflag:s4], $0x4000  }
.LBB2_1:
0x95: {  	[sflag:s4] =	ssyncset.done $0x0  }
0x96: {  	s0 =	rddreg [dreg:$0x4];
	[sflag:s4] =	ssyncadd.s32 $0xFFFFC000  }
0x97: {  	[tilespmem:s3], [sflag:$0x3] =	stream.linear.gather [hbm4b:s0+s3], $0x800, $0x38;
	[tilespmem:$0x8800] =	vst v63  }
0x98: {  	_ =	swait.ge [sflag:s4], $0x800  }
0x99: {  	[sflag:s4] =	ssyncset.done $0x0  }
0x9a: {  	[sflag:s4] =	ssyncadd.s32 $0xFFFFF800  }
0x9b: {  	[tilespmem:s6], [sflag:$0x1] =	stream.indirect.gather [hbm4b:s2+s5], $0x80, s3, s5, $0xb8;
	[tilespmem:$0x8800] =	vst v63  }
0x9c: {  	_ = 	snop  }
0x9d: {  	[tilespmem:s7], [sflag:$0x2] =	stream.indirect.gather [hbm4b:s2+s5], $0x80, s5, s5, $0xb8;
	[tilespmem:$0x8800] =	vst v63  }
0x9e: {  	_ =	swait.ge [sflag:s8], $0x4000  }
0x9f: {  	[sflag:s8] =	ssyncset.done $0x0  }
0xa0: {  	s0 =	rddreg [dreg:$0x5];
	[sflag:s8] =	ssyncadd.s32 $0xFFFFC000  }
0xa1: {  	[hbm4b:s0+s3] =	stream.linear.scatter [tilespmem:s6], [sflag:$0x3], $0x4000, $0x38;
	[tilespmem:$0x8800] =	vst v63  }
0xa2: {  	_ =	swait.ge [sflag:s4], $0x4000  }
0xa3: {  	[sflag:s4] =	ssyncset.done $0x0  }
0xa4: {  	[sflag:s4] =	ssyncadd.s32 $0xFFFFC000  }
0xa5: {  	[tilespmem:s6], [sflag:$0x1] =	stream.indirect.gather [hbm4b:s2+s5], $0x80, s9, s5, $0xb8;
	[tilespmem:$0x8800] =	vst v63  }
0xa6: {  	_ =	swait.ge [sflag:s10], $0x4000  }
0xa7: {  	[sflag:s10] =	ssyncset.done $0x0  }
0xa8: {  	s0 =	rddreg [dreg:$0x6];
	[sflag:s10] =	ssyncadd.s32 $0xFFFFC000  }
0xa9: {  	[hbm4b:s0+s3] =	stream.linear.scatter [tilespmem:s7], [sflag:$0x3], $0x4000, $0x38;
	[tilespmem:$0x8800] =	vst v63  }
0xaa: {  	_ =	swait.ge [sflag:s4], $0x4000  }
0xab: {  	[sflag:s4] =	ssyncset.done $0x0  }
0xac: {  	[sflag:s4] =	ssyncadd.s32 $0xFFFFC000  }
0xad: {  	[tilespmem:s7], [sflag:$0x2] =	stream.indirect.gather [hbm4b:s2+s5], $0x80, s11, s5, $0xb8;
	[tilespmem:$0x8800] =	vst v63  }
0xae: {  	_ =	swait.ge [sflag:s8], $0x4000  }
0xaf: {  	[sflag:s8] =	ssyncset.done $0x0  }
0xb0: {  	s0 =	rddreg [dreg:$0x7];
	[sflag:s8] =	ssyncadd.s32 $0xFFFFC000  }
0xb1: {  	[hbm4b:s0+s3] =	stream.linear.scatter [tilespmem:s6], [sflag:$0x3], $0x4000, $0x38;
	[tilespmem:$0x8800] =	vst v63  }
0xb2: {  	_ =	swait.ge [sflag:s4], $0x4000  }
0xb3: {  	[sflag:s4] =	ssyncset.done $0x0  }
0xb4: {  	[sflag:s4] =	ssyncadd.s32 $0xFFFFC000  }
0xb5: {  	[tilespmem:s6], [sflag:$0x1] =	stream.indirect.gather [hbm4b:s2+s5], $0x80, s12, s5, $0xb8;
	[tilespmem:$0x8800] =	vst v63  }
0xb6: {  	_ =	swait.ge [sflag:s10], $0x4000  }
0xb7: {  	[sflag:s10] =	ssyncset.done $0x0  }
0xb8: {  	s0 =	rddreg [dreg:$0x8];
	[sflag:s10] =	ssyncadd.s32 $0xFFFFC000  }
0xb9: {  	[hbm4b:s0+s3] =	stream.linear.scatter [tilespmem:s7], [sflag:$0x3], $0x4000, $0x38;
	[tilespmem:$0x8800] =	vst v63  }
0xba: {  	_ =	swait.ge [sflag:s4], $0x4000  }
0xbb: {  	[sflag:s4] =	ssyncset.done $0x0  }
0xbc: {  	[sflag:s4] =	ssyncadd.s32 $0xFFFFC000  }
0xbd: {  	[tilespmem:s7], [sflag:$0x2] =	stream.indirect.gather [hbm4b:s2+s5], $0x80, s13, s5, $0xb8;
	[tilespmem:$0x8800] =	vst v63  }
0xbe: {  	_ =	swait.ge [sflag:s8], $0x4000  }
0xbf: {  	[sflag:s8] =	ssyncset.done $0x0  }
0xc0: {  	s0 =	rddreg [dreg:$0x9];
	[sflag:s8] =	ssyncadd.s32 $0xFFFFC000  }
0xc1: {  	[hbm4b:s0+s3] =	stream.linear.scatter [tilespmem:s6], [sflag:$0x3], $0x4000, $0x38;
	[tilespmem:$0x8800] =	vst v63  }
0xc2: {  	_ =	swait.ge [sflag:s4], $0x4000  }
0xc3: {  	[sflag:s4] =	ssyncset.done $0x0  }
0xc4: {  	[sflag:s4] =	ssyncadd.s32 $0xFFFFC000  }
0xc5: {  	[tilespmem:s6], [sflag:$0x1] =	stream.indirect.gather [hbm4b:s2+s5], $0x80, s14, s5, $0xb8;
	[tilespmem:$0x8800] =	vst v63  }
0xc6: {  	_ =	swait.ge [sflag:s10], $0x4000  }
0xc7: {  	[sflag:s10] =	ssyncset.done $0x0  }
0xc8: {  	s0 =	rddreg [dreg:$0xa];
	[sflag:s10] =	ssyncadd.s32 $0xFFFFC000  }
0xc9: {  	[hbm4b:s0+s3] =	stream.linear.scatter [tilespmem:s7], [sflag:$0x3], $0x4000, $0x38;
	[tilespmem:$0x8800] =	vst v63  }
0xca: {  	_ =	swait.ge [sflag:s4], $0x4000  }
0xcb: {  	[sflag:s4] =	ssyncset.done $0x0  }
0xcc: {  	[sflag:s4] =	ssyncadd.s32 $0xFFFFC000  }
0xcd: {  	[tilespmem:s7], [sflag:$0x2] =	stream.indirect.gather [hbm4b:s2+s5], $0x80, s15, s5, $0xb8;
	[tilespmem:$0x8800] =	vst v63  }
0xce: {  	_ =	swait.ge [sflag:s8], $0x4000  }
0xcf: {  	[sflag:s8] =	ssyncset.done $0x0  }
0xd0: {  	s0 =	rddreg [dreg:$0xb];
	[sflag:s8] =	ssyncadd.s32 $0xFFFFC000  }
0xd1: {  	[hbm4b:s0+s3] =	stream.linear.scatter [tilespmem:s6], [sflag:$0x3], $0x4000, $0x38;
	[tilespmem:$0x8800] =	vst v63  }
0xd2: {  	_ =	swait.ge [sflag:s4], $0x4000  }
0xd3: {  	[sflag:s4] =	ssyncset.done $0x0  }
0xd4: {  	[sflag:s4] =	ssyncadd.s32 $0xFFFFC000  }
0xd5: {  	[tilespmem:s6], [sflag:$0x1] =	stream.indirect.gather [hbm4b:s2+s5], $0x80, s16, s5, $0xb8;
	[tilespmem:$0x8800] =	vst v63  }
0xd6: {  	_ =	swait.ge [sflag:s10], $0x4000  }
0xd7: {  	[sflag:s10] =	ssyncset.done $0x0  }
0xd8: {  	s0 =	rddreg [dreg:$0xc];
	[sflag:s10] =	ssyncadd.s32 $0xFFFFC000  }
0xd9: {  	[hbm4b:s0+s3] =	stream.linear.scatter [tilespmem:s7], [sflag:$0x3], $0x4000, $0x38;
	[tilespmem:$0x8800] =	vst v63  }
0xda: {  	_ =	swait.ge [sflag:s4], $0x4000  }
0xdb: {  	[sflag:s4] =	ssyncset.done $0x0  }
0xdc: {  	[sflag:s4] =	ssyncadd.s32 $0xFFFFC000  }
0xdd: {  	[tilespmem:s7], [sflag:$0x2] =	stream.indirect.gather [hbm4b:s2+s5], $0x80, s17, s5, $0xb8;
	[tilespmem:$0x8800] =	vst v63  }
0xde: {  	_ =	swait.ge [sflag:s8], $0x4000  }
0xdf: {  	[sflag:s8] =	ssyncset.done $0x0  }
0xe0: {  	s0 =	rddreg [dreg:$0xd];
	[sflag:s8] =	ssyncadd.s32 $0xFFFFC000  }
0xe1: {  	[hbm4b:s0+s3] =	stream.linear.scatter [tilespmem:s6], [sflag:$0x3], $0x4000, $0x38;
	[tilespmem:$0x8800] =	vst v63  }
0xe2: {  	_ =	swait.ge [sflag:s4], $0x4000  }
0xe3: {  	[sflag:s4] =	ssyncset.done $0x0  }
0xe4: {  	[sflag:s4] =	ssyncadd.s32 $0xFFFFC000  }
0xe5: {  	[tilespmem:s6], [sflag:$0x1] =	stream.indirect.gather [hbm4b:s2+s5], $0x80, s18, s5, $0xb8;
	[tilespmem:$0x8800] =	vst v63  }
0xe6: {  	_ =	swait.ge [sflag:s10], $0x4000  }
0xe7: {  	[sflag:s10] =	ssyncset.done $0x0  }
0xe8: {  	[sflag:s10] =	ssyncadd.s32 $0xFFFFC000  }
0xe9: {  	[hbm4b:s19+s3] =	stream.linear.scatter [tilespmem:s7], [sflag:$0x3], $0x4000, $0x38;
	[tilespmem:$0x8800] =	vst v63  }
0xea: {  	_ =	swait.ge [sflag:s4], $0x4000  }
0xeb: {  	[sflag:s4] =	ssyncset.done $0x0  }
0xec: {  	[sflag:s4] =	ssyncadd.s32 $0xFFFFC000  }
0xed: {  	[tilespmem:s7], [sflag:$0x2] =	stream.indirect.gather [hbm4b:s2+s5], $0x80, s20, s5, $0xb8;
	[tilespmem:$0x8800] =	vst v63  }
0xee: {  	_ =	swait.ge [sflag:s8], $0x4000  }
0xef: {  	[sflag:s8] =	ssyncset.done $0x0  }
0xf0: {  	[sflag:s8] =	ssyncadd.s32 $0xFFFFC000  }
0xf1: {  	[hbm4b:s21+s3] =	stream.linear.scatter [tilespmem:s6], [sflag:$0x3], $0x4000, $0x38;
	[tilespmem:$0x8800] =	vst v63  }
0xf2: {  	_ =	swait.ge [sflag:s4], $0x4000  }
0xf3: {  	[sflag:s4] =	ssyncset.done $0x0  }
0xf4: {  	[sflag:s4] =	ssyncadd.s32 $0xFFFFC000  }
0xf5: {  	[tilespmem:s6], [sflag:$0x1] =	stream.indirect.gather [hbm4b:s2+s5], $0x80, s22, s5, $0xb8;
	[tilespmem:$0x8800] =	vst v63  }
0xf6: {  	_ =	swait.ge [sflag:s10], $0x4000  }
0xf7: {  	[sflag:s10] =	ssyncset.done $0x0  }
0xf8: {  	[sflag:s10] =	ssyncadd.s32 $0xFFFFC000  }
0xf9: {  	[hbm4b:s23+s3] =	stream.linear.scatter [tilespmem:s7], [sflag:$0x3], $0x4000, $0x38;
	[tilespmem:$0x8800] =	vst v63  }
0xfa: {  	_ =	swait.ge [sflag:s4], $0x4000  }
0xfb: {  	[sflag:s4] =	ssyncset.done $0x0  }
0xfc: {  	[sflag:s4] =	ssyncadd.s32 $0xFFFFC000  }
0xfd: {  	[tilespmem:s7], [sflag:$0x2] =	stream.indirect.gather [hbm4b:s2+s5], $0x80, s24, s5, $0xb8;
	[tilespmem:$0x8800] =	vst v63  }
0xfe: {  	_ =	swait.ge [sflag:s8], $0x4000  }
0xff: {  	[sflag:s8] =	ssyncset.done $0x0  }
0x100: {  	[sflag:s8] =	ssyncadd.s32 $0xFFFFC000  }
0x101: {  	[hbm4b:s25+s3] =	stream.linear.scatter [tilespmem:s6], [sflag:$0x3], $0x4000, $0x38;
	[tilespmem:$0x8800] =	vst v63  }
0x102: {  	_ =	swait.ge [sflag:s4], $0x4000  }
0x103: {  	[sflag:s4] =	ssyncset.done $0x0  }
0x104: {  	[sflag:s4] =	ssyncadd.s32 $0xFFFFC000  }
0x105: {  	[tilespmem:s6], [sflag:$0x1] =	stream.indirect.gather [hbm4b:s2+s5], $0x80, s26, s5, $0xb8;
	[tilespmem:$0x8800] =	vst v63  }
0x106: {  	_ =	swait.ge [sflag:s10], $0x4000  }
0x107: {  	[sflag:s10] =	ssyncset.done $0x0  }
0x108: {  	[sflag:s10] =	ssyncadd.s32 $0xFFFFC000  }
0x109: {  	[hbm4b:s28+s3] =	stream.linear.scatter [tilespmem:s7], [sflag:$0x3], $0x4000, $0x38;
	[tilespmem:$0x8800] =	vst v63  }
0x10a: {  	_ =	swait.ge [sflag:s4], $0x4000  }
0x10b: {  	[sflag:s4] =	ssyncset.done $0x0  }
0x10c: {  	[sflag:s4] =	ssyncadd.s32 $0xFFFFC000  }
0x10d: {  	[tilespmem:s7], [sflag:$0x2] =	stream.indirect.gather [hbm4b:s2+s5], $0x80, s29, s5, $0xb8;
	[tilespmem:$0x8800] =	vst v63  }
0x10e: {  	_ =	swait.ge [sflag:s8], $0x4000  }
0x10f: {  	[sflag:s8] =	ssyncset.done $0x0  }
0x110: {  	[sflag:s8] =	ssyncadd.s32 $0xFFFFC000  }
0x111: {  	[hbm4b:s30+s3] =	stream.linear.scatter [tilespmem:s6], [sflag:$0x3], $0x4000, $0x38;
	[tilespmem:$0x8800] =	vst v63  }
0x112: {  	_ =	swait.ge [sflag:s4], $0x4000  }
0x113: {  	[sflag:s4] =	ssyncset.done $0x0  }
0x114: {  	p0 =	sne.s32 s1, $0x1;
	[sflag:s4] =	ssyncadd.s32 $0xFFFFC000  }
.Ltmp1:
0x115: {  	_ =	swait.ge [sflag:s10], $0x4000;
	(pc) =	sbr.rel @p0 .LBB2_1-.Ltmp1, $4  }
0x116: {  	[sflag:s10] =	ssyncset.done $0x0  }
0x117: {  	[sflag:s10] =	ssyncadd.s32 $0xFFFFC000  }
0x118: {  	[hbm4b:s31+s3] =	stream.linear.scatter [tilespmem:s7], [sflag:$0x3], $0x4000, $0x38;
	[tilespmem:$0x8800] =	vst v63  }
0x119: {  	s1 =	sadd.s32 $0xFFFFFFFF, s1;
	_ =	swait.ge [sflag:s4], $0x4000  }
.LBB2_2:
0x11a: {  	[sflag:s4] =	ssyncset.done $0x0  }
0x11b: {  	[sflag:s4] =	ssyncadd.s32 $0xFFFFC000  }
0x11c: {  	_ =	sfence.sel $0x180000  }
0x11d: {  	[bflag:$0x0] =	sbarrier.arrive $0xFFFF  }
0x11e: {  	_ =	strace $0x90000047  }
0x11f: {  	s0 =	stileid.u32;
	[bflag:$0x2] =	sbarrier.arrive $0xFFFF  }
0x120: {  	p0 =	sne.s32 s0, $0x0;
	s0 =	rddreg [dreg:$0x3]  }
0x121: {  	s0 =	sadd.s32 @!p0 $0x100000, s0  }
0x122: {  	[sflag:s0] =	ssyncadd.tile.s32 @!p0 $0x1;
	_ =	shalt  }
.Lfunc_end2:
_tile_overlayer_lowered:
.L_overlay_start_2:
0x123: {  	(tag) =	ssettag $0x2  }
0x124: {  	s0 =	rddreg [dreg:$0x0];
	s2 =	stileid.u32  }
0x125: {  	s1 =	rddreg [dreg:$0x1];
	p0 =	sne.s32 s2, $0x0  }
0x126: {  	s3 =	rddreg [dreg:$0x2];
	[bflag:$0x3] =	sbarrier.arrive $0xFFFF;
	s2 =	simm.s32 @!p0 $0x1C03  }
0x127: {  	[timem:s3], [sflag:s2] =	dma.local @!p0 [hbm:s0], s1  }
0x128: {  	s0 =	simm.s32 @!p0 $0x3  }
0x129: {  	_ =	swait.ge @!p0 [sflag:s0], s1  }
0x12a: {  	s1 =	ssub.s32 @!p0 $0x0, s1;
	[sflag:s0] =	ssyncset.done @!p0 $0x0  }
0x12b: {  	[sflag:s0] =	ssyncadd.s32 @!p0 s1  }
0x12c: {  	[bflag:$0x3] =	sbarrier.arrive $0xFFFF  }
0x12d: {  	_ =	shalt  }

</sc_bundles>
